<compile_context>
chip_gen: v7x
topology: tpu7x:2x2x1
jax: 0.10.2.dev20260603
libtpu: 0.0.44.dev20260713+nightly
codegen_flags: <defaults>
</compile_context>

<pallas_src>
import jax
import jax.numpy as jnp
from jax import lax
from jax.experimental import pallas as pl
from jax.experimental.pallas import tpu as pltpu
from jax.experimental.pallas import tpu_sc as plsc

N_NODES = 10000
N_PAD = 10240
N_EDGES = 320000
D = 128
N_GRAPHS = 64
NC, NS = 2, 16
NW = NC * NS
EPT = N_EDGES // NW
CHUNK = 80
NSTEP = EPT // CHUNK
RPT = N_PAD // NS
BLK = 1024
NBLK = 10

_f32 = jnp.float32
_i32 = jnp.int32


def _sc_mesh():
  return plsc.VectorSubcoreMesh(
      core_axis_name="c", subcore_axis_name="s", num_cores=NC,
      num_subcores=NS)


def _deg_body(dst_hbm, ew_hbm, out_hbm, didx_v, ew_v, zer_v, deg_sh):
  cid = lax.axis_index("c")
  sid = lax.axis_index("s")
  wid = cid * NS + sid

  def _zb(i, _):
    zer_v[pl.ds(i * 16, 16)] = jnp.zeros((16,), _f32)
    return 0
  lax.fori_loop(0, RPT // 16, _zb, 0)
  pltpu.sync_copy(zer_v, deg_sh.at[pl.ds(sid * RPT, RPT)])
  plsc.subcore_barrier()

  pltpu.sync_copy(dst_hbm.at[pl.ds(wid * NSTEP, NSTEP)], didx_v)
  pltpu.sync_copy(ew_hbm.at[pl.ds(wid * NSTEP, NSTEP)], ew_v)

  def _eb(k, _):
    pltpu.sync_copy(ew_v.at[k], deg_sh.at[didx_v.at[k]], add=True)
    return 0
  lax.fori_loop(0, NSTEP, _eb, 0)
  plsc.subcore_barrier()
  pltpu.sync_copy(deg_sh.at[pl.ds(sid * RPT, RPT)],
                  out_hbm.at[cid, pl.ds(sid * RPT, RPT)])


def _deg_partials(dst2, ew2):
  return pl.kernel(
      _deg_body,
      out_type=jax.ShapeDtypeStruct((NC, N_PAD), _f32),
      mesh=_sc_mesh(),
      compiler_params=pltpu.CompilerParams(use_tc_tiling_on_sc=False, needs_layout_passes=False),
      scratch_types=[
          pltpu.VMEM((NSTEP, CHUNK), _i32),
          pltpu.VMEM((NSTEP, CHUNK), _f32),
          pltpu.VMEM((RPT,), _f32),
          pltpu.VMEM_SHARED((N_PAD,), _f32),
      ],
  )(dst2, ew2)


def _agg_body(src_hbm, dst_hbm, ew_hbm, xs_hbm, out_hbm,
              sidx_v, didx_v, ew_v, rows_v, t_sh, sem):
  cid = lax.axis_index("c")
  sid = lax.axis_index("s")
  wid = cid * NS + sid

  def _zr(i, _):
    for dch in range(D // 16):
      rows_v[i, pl.ds(dch * 16, 16)] = jnp.zeros((16,), _f32)
    return 0
  lax.fori_loop(0, CHUNK, _zr, 0)

  def _zs(j, _):
    pltpu.sync_copy(rows_v, t_sh.at[pl.ds(sid * RPT + j * CHUNK, CHUNK)])
    return 0
  lax.fori_loop(0, RPT // CHUNK, _zs, 0)
  plsc.subcore_barrier()

  pltpu.sync_copy(src_hbm.at[pl.ds(wid * NSTEP, NSTEP)], sidx_v)
  pltpu.sync_copy(dst_hbm.at[pl.ds(wid * NSTEP, NSTEP)], didx_v)
  pltpu.sync_copy(ew_hbm.at[pl.ds(wid * NSTEP, NSTEP)], ew_v)

  def _eb(k, _):
    pltpu.async_copy(xs_hbm.at[sidx_v.at[k]], rows_v, sem).wait()

    def _sb(e, _):
      s = plsc.load_gather(ew_v.at[k], [jnp.full((16,), e, _i32)])
      for dch in range(D // 16):
        sl = pl.ds(dch * 16, 16)
        rows_v[e, sl] = rows_v[e, sl] * s
      return 0
    lax.fori_loop(0, CHUNK, _sb, 0)

    pltpu.sync_copy(rows_v, t_sh.at[didx_v.at[k]], add=True)
    return 0
  lax.fori_loop(0, NSTEP, _eb, 0)
  plsc.subcore_barrier()
  pltpu.sync_copy(t_sh.at[pl.ds(sid * RPT, RPT)],
                  out_hbm.at[cid, pl.ds(sid * RPT, RPT)])


def _agg_partials(src2, dst2, ew2, xs):
  return pl.kernel(
      _agg_body,
      out_type=jax.ShapeDtypeStruct((NC, N_PAD, D), _f32),
      mesh=_sc_mesh(),
      compiler_params=pltpu.CompilerParams(use_tc_tiling_on_sc=False, needs_layout_passes=False),
      scratch_types=[
          pltpu.VMEM((NSTEP, CHUNK), _i32),
          pltpu.VMEM((NSTEP, CHUNK), _i32),
          pltpu.VMEM((NSTEP, CHUNK), _f32),
          pltpu.VMEM((CHUNK, D), _f32),
          pltpu.VMEM_SHARED((N_PAD, D), _f32),
          pltpu.SemaphoreType.DMA,
      ],
  )(src2, dst2, ew2, xs)


def _tc1_body(x_ref, w1_ref, b1_ref, d0_ref, d1_ref, xw_ref, xs_ref):
  deg = d0_ref[...] + d1_ref[...] + 1.0
  dinv = lax.rsqrt(deg)
  xw = jnp.dot(x_ref[...], w1_ref[...],
               preferred_element_type=_f32) + b1_ref[...]
  xw_ref[...] = xw
  xs_ref[...] = xw * dinv


def _tc1(x, w1, b1r, d0, d1):
  return pl.pallas_call(
      _tc1_body,
      grid=(NBLK,),
      in_specs=[
          pl.BlockSpec((BLK, D), lambda i: (i, 0)),
          pl.BlockSpec((D, D), lambda i: (0, 0)),
          pl.BlockSpec((1, D), lambda i: (0, 0)),
          pl.BlockSpec((BLK, 1), lambda i: (i, 0)),
          pl.BlockSpec((BLK, 1), lambda i: (i, 0)),
      ],
      out_specs=[
          pl.BlockSpec((BLK, D), lambda i: (i, 0)),
          pl.BlockSpec((BLK, D), lambda i: (i, 0)),
      ],
      out_shape=[
          jax.ShapeDtypeStruct((N_NODES, D), _f32),
          jax.ShapeDtypeStruct((N_NODES, D), _f32),
      ],
  )(x, w1, b1r, d0, d1)


def _tc2_body(tp_ref, xw_ref, d0_ref, d1_ref, b_ref, w2_ref, b2_ref,
              g_ref, h_ref, pool_ref, cnt_ref):
  i = pl.program_id(0)
  deg = d0_ref[...] + d1_ref[...] + 1.0
  dinv = lax.rsqrt(deg)
  t = tp_ref[0] + tp_ref[1]
  agg = dinv * t + (dinv * dinv) * xw_ref[...]
  h = jnp.tanh(agg)
  h_ref[...] = h

  rows = lax.broadcasted_iota(_i32, (BLK, 1), 0) + i * BLK
  valid = rows < N_NODES
  gids = lax.broadcasted_iota(_i32, (BLK, N_GRAPHS), 1)
  onehot = jnp.where((b_ref[...] == gids) & valid, 1.0, 0.0)
  h_m = jnp.where(valid, h, 0.0)
  valid_f = jnp.where(valid, 1.0, 0.0)

  @pl.when(i == 0)
  def _init():
    pool_ref[...] = jnp.zeros_like(pool_ref)
    cnt_ref[...] = jnp.zeros_like(cnt_ref)

  dn = (((0,), (0,)), ((), ()))
  pool_ref[...] += lax.dot_general(onehot, h_m, dn,
                                   preferred_element_type=_f32)
  cnt_ref[...] += lax.dot_general(onehot, valid_f, dn,
                                  preferred_element_type=_f32)

  @pl.when(i == NBLK - 1)
  def _fin():
    cnt = jnp.maximum(cnt_ref[...], 1.0)
    gm = pool_ref[...] / cnt
    g = jnp.dot(gm, w2_ref[...], preferred_element_type=_f32) + b2_ref[...]
    g_ref[...] = jnp.tanh(g)


def _tc2(tp, xw, d0, d1, batch2, w2, b2r):
  return pl.pallas_call(
      _tc2_body,
      grid=(NBLK,),
      in_specs=[
          pl.BlockSpec((NC, BLK, D), lambda i: (0, i, 0)),
          pl.BlockSpec((BLK, D), lambda i: (i, 0)),
          pl.BlockSpec((BLK, 1), lambda i: (i, 0)),
          pl.BlockSpec((BLK, 1), lambda i: (i, 0)),
          pl.BlockSpec((BLK, 1), lambda i: (i, 0)),
          pl.BlockSpec((D, D), lambda i: (0, 0)),
          pl.BlockSpec((1, D), lambda i: (0, 0)),
      ],
      out_specs=[
          pl.BlockSpec((N_GRAPHS, D), lambda i: (0, 0)),
          pl.BlockSpec((BLK, D), lambda i: (i, 0)),
      ],
      out_shape=[
          jax.ShapeDtypeStruct((N_GRAPHS, D), _f32),
          jax.ShapeDtypeStruct((N_NODES, D), _f32),
      ],
      scratch_shapes=[
          pltpu.VMEM((N_GRAPHS, D), _f32),
          pltpu.VMEM((N_GRAPHS, 1), _f32),
      ],
  )(tp, xw, d0, d1, batch2, w2, b2r)


def kernel(x, edge_index, edge_features, batch, W1, b1, W2, b2):
  src2 = edge_index[0].astype(_i32).reshape(NW * NSTEP, CHUNK)
  dst2 = edge_index[1].astype(_i32).reshape(NW * NSTEP, CHUNK)
  ew2 = edge_features.astype(_f32).reshape(NW * NSTEP, CHUNK)
  batch2 = batch.astype(_i32).reshape(N_NODES, 1)

  dega = _deg_partials(dst2, ew2)
  d0 = dega[0].reshape(N_PAD, 1)
  d1 = dega[1].reshape(N_PAD, 1)
  xw, xs = _tc1(x, W1, b1.reshape(1, D), d0, d1)
  tp = _agg_partials(src2, dst2, ew2, xs)
  graph, node = _tc2(tp, xw, d0, d1, batch2, W2, b2.reshape(1, D))
  return graph, node

# --- scband reference (transcript-rebuilt; emitter-appended) ---
"""Pipeline reference for scband-stage2-gcn-encoder-3298534883878 (READ-ONLY COPY).

The authoritative reference and input builder live on the scoring server;
editing this copy changes nothing except your own understanding.
"""

import jax, jax.numpy as jnp
import numpy as np

N_NODES = 10000
N_EDGES = 320000
D_IN = 128
D_HID = 128
D_OUT = 128
N_GRAPHS = 64

def setup_inputs(seed: int = 0) -> dict:
    key = jax.random.key(seed)
    k1, k2, k3, k4, k5, k6 = jax.random.split(key, 6)
    x = jax.random.normal(k1, (N_NODES, D_IN), dtype=jnp.float32)
    edge_index = jax.random.randint(k2, (2, N_EDGES), 0, N_NODES, dtype=jnp.int64)
    edge_features = jax.random.uniform(k3, (N_EDGES,), dtype=jnp.float32)
    batch = jnp.sort(jax.random.randint(k4, (N_NODES,), 0, N_GRAPHS, dtype=jnp.int64))
    # learned params: gcn conv weight/bias, linear1 weight/bias
    W1 = jax.random.normal(k5, (D_IN, D_HID), dtype=jnp.float32) * (1.0 / np.sqrt(D_IN))
    b1 = jnp.zeros((D_HID,), dtype=jnp.float32)
    W2 = jax.random.normal(k6, (D_HID, D_OUT), dtype=jnp.float32) * (1.0 / np.sqrt(D_HID))
    b2 = jnp.zeros((D_OUT,), dtype=jnp.float32)
    return {"x": x, "edge_index": edge_index, "edge_features": edge_features, "batch": batch,
            "W1": W1, "b1": b1, "W2": W2, "b2": b2}


def reference(x, edge_index, edge_features, batch, W1, b1, W2, b2):
    N = x.shape[0]
    src = edge_index[0]
    dst = edge_index[1]
    # GCNConv with edge weights + self-loops (weight 1.0)
    loop = jnp.arange(N, dtype=edge_index.dtype)
    src_f = jnp.concatenate([src, loop])
    dst_f = jnp.concatenate([dst, loop])
    ew = jnp.concatenate([edge_features, jnp.ones((N,), dtype=x.dtype)])
    deg = jax.ops.segment_sum(ew, dst_f, num_segments=N)
    dinv = jnp.where(deg > 0, 1.0 / jnp.sqrt(deg), 0.0)
    norm = dinv[src_f] * ew * dinv[dst_f]
    xw = x @ W1 + b1
    msg = xw[src_f] * norm[:, None]
    agg = jax.ops.segment_sum(msg, dst_f, num_segments=N)
    h = jnp.tanh(agg)
    # dropout is identity in eval/reference mode
    node_embeddings = h
    # global_mean_pool over batch assignments
    sums = jax.ops.segment_sum(h, batch, num_segments=N_GRAPHS)
    counts = jax.ops.segment_sum(jnp.ones((N,), dtype=h.dtype), batch, num_segments=N_GRAPHS)
    graph_embeddings = sums / jnp.clip(counts, 1.0)[:, None]
    graph_embeddings = graph_embeddings @ W2 + b2
    graph_embeddings = jnp.tanh(graph_embeddings)
    return (graph_embeddings, node_embeddings)

if __name__ == "__main__":
    import jax
    _d = setup_inputs()
    print(jax.jit(kernel)(*tuple(_d.values())))

</pallas_src>

<mosaic_0001>
#map = affine_map<(d0, d1) -> (0, 0)>
module attributes {stable_mosaic.version = 14 : i64} {
  func.func @_deg_body(%arg0: i32, %arg1: i32, %arg2: memref<4000x80xi32, #tpu.memory_space<hbm>>, %arg3: memref<4000x80xf32, #tpu.memory_space<hbm>>, %arg4: memref<2x10240xf32, #tpu.memory_space<hbm>>, %arg5: memref<125x80xi32, #tpu.memory_space<vmem>>, %arg6: memref<125x80xf32, #tpu.memory_space<vmem>>, %arg7: memref<640xf32, #tpu.memory_space<vmem>>, %arg8: memref<10240xf32, #tpu.memory_space<vmem_shared>>) attributes {dimension_semantics = [#tpu.dimension_semantics<core_parallel>, #tpu.dimension_semantics<subcore_parallel>], iteration_bounds = array<i64: 2, 16>, scalar_prefetch = 0 : i64, scratch_operands = 4 : i64, tpu.core_type = #tpu.core_type<sc_vector_subcore>, window_params = [{transform_indices = #map}, {transform_indices = #map}, {transform_indices = #map}]} {
    %mul3A = arith.constant 16 : i32
    %mul3A_0 = arith.muli %arg0, %mul3A : i32
    %add3A = arith.addi %mul3A_0, %arg1 : i32
    %scan3A = arith.constant 0 : i32
    %scan3A_1 = arith.constant 0 : i32
    %scan3A_2 = arith.constant 40 : i32
    %scan3A_3 = arith.addi %scan3A_1, %scan3A_2 : i32
    %scan3A_4 = arith.constant 1 : i32
    %scan3A_5 = scf.for %scan3A_25 = %scan3A_1 to %scan3A_3 step %scan3A_4 iter_args(%scan3A_26 = %scan3A) -> (i32)  : i32 {
      %broadcast_in_dim3A = arith.constant 0.000000e+00 : f32
      %broadcast_in_dim3A_27 = vector.broadcast %broadcast_in_dim3A : f32 to vector<16xf32>
      %mul3A_28 = arith.constant 16 : i32
      %mul3A_29 = arith.muli %scan3A_25, %mul3A_28 : i32
      %swap3A = arith.index_cast %mul3A_29 : i32 to index
      %swap3A_30 = tpu.vector_load %arg7[%swap3A] {strides = array<i32>} : memref<640xf32, #tpu.memory_space<vmem>>, vector<16xf32>,
      tpu.vector_store %arg7[%swap3A], %broadcast_in_dim3A_27 {strides = array<i32>} : memref<640xf32, #tpu.memory_space<vmem>>, vector<16xf32>,
      %scan3A_31 = arith.constant 0 : i32
      scf.yield %scan3A_31 : i32
    }
    %scan3A_6 = arith.constant 40 : i32
    %mul3A_7 = arith.constant 640 : i32
    %mul3A_8 = arith.muli %arg1, %mul3A_7 : i32
    "tpu.region"() ({
      %run_scoped3A = tpu.sem_alloc : memref<!tpu.dma_semaphore, #tpu.memory_space<semaphore_mem>>
      %dma_start3A = tpu.memref_slice %arg8[%mul3A_8] : memref<10240xf32, #tpu.memory_space<vmem_shared>> -> memref<640xf32, #tpu.memory_space<vmem_shared>>
      %dma_start3A_25 = tpu.memref_slice %arg8[%mul3A_8] : memref<10240xf32, #tpu.memory_space<vmem_shared>> -> memref<640xf32, #tpu.memory_space<vmem_shared>>
      tpu.enqueue_dma source(%arg7 : memref<640xf32, #tpu.memory_space<vmem>>) target(%dma_start3A_25 : memref<640xf32, #tpu.memory_space<vmem_shared>>) target_semaphore(%run_scoped3A : memref<!tpu.dma_semaphore, #tpu.memory_space<semaphore_mem>>)
      %dma_wait3A = tpu.memref_slice %arg8[%mul3A_8] : memref<10240xf32, #tpu.memory_space<vmem_shared>> -> memref<640xf32, #tpu.memory_space<vmem_shared>>
      %dma_wait3A_26 = tpu.memref_slice %arg8[%mul3A_8] : memref<10240xf32, #tpu.memory_space<vmem_shared>> -> memref<640xf32, #tpu.memory_space<vmem_shared>>
      tpu.wait_dma2 semaphore(%run_scoped3A : memref<!tpu.dma_semaphore, #tpu.memory_space<semaphore_mem>>) src(%arg7 : memref<640xf32, #tpu.memory_space<vmem>>) dst(%dma_wait3A_26 : memref<640xf32, #tpu.memory_space<vmem_shared>>)
      tpu.yield
    }) : () -> ()
    %barrier3A = arith.constant 0 : index
    tpu.barrier barrier_id(%barrier3A)
    %mul3A_9 = arith.constant 125 : i32
    %mul3A_10 = arith.muli %add3A, %mul3A_9 : i32
    "tpu.region"() ({
      %run_scoped3A = tpu.sem_alloc : memref<!tpu.dma_semaphore, #tpu.memory_space<semaphore_mem>>
      %dma_start3A = arith.constant 0 : i32
      %dma_start3A_25 = tpu.memref_slice %arg2[%mul3A_10, %dma_start3A] : memref<4000x80xi32, #tpu.memory_space<hbm>> -> memref<125x80xi32, #tpu.memory_space<hbm>>
      %dma_start3A_26 = arith.constant 0 : i32
      %dma_start3A_27 = tpu.memref_slice %arg2[%mul3A_10, %dma_start3A_26] : memref<4000x80xi32, #tpu.memory_space<hbm>> -> memref<125x80xi32, #tpu.memory_space<hbm>>
      tpu.enqueue_dma source(%dma_start3A_27 : memref<125x80xi32, #tpu.memory_space<hbm>>) target(%arg5 : memref<125x80xi32, #tpu.memory_space<vmem>>) target_semaphore(%run_scoped3A : memref<!tpu.dma_semaphore, #tpu.memory_space<semaphore_mem>>)
      %dma_wait3A = arith.constant 0 : i32
      %dma_wait3A_28 = tpu.memref_slice %arg2[%mul3A_10, %dma_wait3A] : memref<4000x80xi32, #tpu.memory_space<hbm>> -> memref<125x80xi32, #tpu.memory_space<hbm>>
      %dma_wait3A_29 = arith.constant 0 : i32
      %dma_wait3A_30 = tpu.memref_slice %arg2[%mul3A_10, %dma_wait3A_29] : memref<4000x80xi32, #tpu.memory_space<hbm>> -> memref<125x80xi32, #tpu.memory_space<hbm>>
      tpu.wait_dma2 semaphore(%run_scoped3A : memref<!tpu.dma_semaphore, #tpu.memory_space<semaphore_mem>>) src(%dma_wait3A_30 : memref<125x80xi32, #tpu.memory_space<hbm>>) dst(%arg5 : memref<125x80xi32, #tpu.memory_space<vmem>>)
      tpu.yield
    }) : () -> ()
    %mul3A_11 = arith.constant 125 : i32
    %mul3A_12 = arith.muli %add3A, %mul3A_11 : i32
    "tpu.region"() ({
      %run_scoped3A = tpu.sem_alloc : memref<!tpu.dma_semaphore, #tpu.memory_space<semaphore_mem>>
      %dma_start3A = arith.constant 0 : i32
      %dma_start3A_25 = tpu.memref_slice %arg3[%mul3A_12, %dma_start3A] : memref<4000x80xf32, #tpu.memory_space<hbm>> -> memref<125x80xf32, #tpu.memory_space<hbm>>
      %dma_start3A_26 = arith.constant 0 : i32
      %dma_start3A_27 = tpu.memref_slice %arg3[%mul3A_12, %dma_start3A_26] : memref<4000x80xf32, #tpu.memory_space<hbm>> -> memref<125x80xf32, #tpu.memory_space<hbm>>
      tpu.enqueue_dma source(%dma_start3A_27 : memref<125x80xf32, #tpu.memory_space<hbm>>) target(%arg6 : memref<125x80xf32, #tpu.memory_space<vmem>>) target_semaphore(%run_scoped3A : memref<!tpu.dma_semaphore, #tpu.memory_space<semaphore_mem>>)
      %dma_wait3A = arith.constant 0 : i32
      %dma_wait3A_28 = tpu.memref_slice %arg3[%mul3A_12, %dma_wait3A] : memref<4000x80xf32, #tpu.memory_space<hbm>> -> memref<125x80xf32, #tpu.memory_space<hbm>>
      %dma_wait3A_29 = arith.constant 0 : i32
      %dma_wait3A_30 = tpu.memref_slice %arg3[%mul3A_12, %dma_wait3A_29] : memref<4000x80xf32, #tpu.memory_space<hbm>> -> memref<125x80xf32, #tpu.memory_space<hbm>>
      tpu.wait_dma2 semaphore(%run_scoped3A : memref<!tpu.dma_semaphore, #tpu.memory_space<semaphore_mem>>) src(%dma_wait3A_30 : memref<125x80xf32, #tpu.memory_space<hbm>>) dst(%arg6 : memref<125x80xf32, #tpu.memory_space<vmem>>)
      tpu.yield
    }) : () -> ()
    %scan3A_13 = arith.constant 0 : i32
    %scan3A_14 = arith.constant 0 : i32
    %scan3A_15 = arith.constant 125 : i32
    %scan3A_16 = arith.addi %scan3A_14, %scan3A_15 : i32
    %scan3A_17 = arith.constant 1 : i32
    %scan3A_18 = scf.for %scan3A_25 = %scan3A_14 to %scan3A_16 step %scan3A_17 iter_args(%scan3A_26 = %scan3A_13) -> (i32)  : i32 {
      "tpu.region"() ({
        %run_scoped3A = tpu.sem_alloc : memref<!tpu.dma_semaphore, #tpu.memory_space<semaphore_mem>>
        %dma_start3A = arith.constant 0 : i32
        %dma_start3A_28 = tpu.memref_slice %arg6[%scan3A_25, %dma_start3A] : memref<125x80xf32, #tpu.memory_space<vmem>> -> memref<1x80xf32, #tpu.memory_space<vmem>>
        %dma_start3A_29 = tpu.memref_squeeze %dma_start3A_28 : memref<1x80xf32, #tpu.memory_space<vmem>> -> memref<80xf32, #tpu.memory_space<vmem>>
        %dma_start3A_30 = arith.constant 0 : i32
        %dma_start3A_31 = tpu.memref_slice %arg5[%scan3A_25, %dma_start3A_30] : memref<125x80xi32, #tpu.memory_space<vmem>> -> memref<1x80xi32, #tpu.memory_space<vmem>>
        %dma_start3A_32 = tpu.memref_squeeze %dma_start3A_31 : memref<1x80xi32, #tpu.memory_space<vmem>> -> memref<80xi32, #tpu.memory_space<vmem>>
        %dma_start3A_33 = arith.constant 0 : i32
        %dma_start3A_34 = tpu.memref_slice %arg8[%dma_start3A_33] : memref<10240xf32, #tpu.memory_space<vmem_shared>> -> memref<10240xf32, #tpu.memory_space<vmem_shared>>
        tpu.enqueue_indirect_dma source(%dma_start3A_29 : memref<80xf32, #tpu.memory_space<vmem>>) target(%dma_start3A_34 : memref<10240xf32, #tpu.memory_space<vmem_shared>>) offsets(%dma_start3A_32 : memref<80xi32, #tpu.memory_space<vmem>>) semaphore(%run_scoped3A : memref<!tpu.dma_semaphore, #tpu.memory_space<semaphore_mem>>) {add = true}
        %dma_wait3A = arith.constant 0 : i32
        %dma_wait3A_35 = tpu.memref_slice %arg6[%scan3A_25, %dma_wait3A] : memref<125x80xf32, #tpu.memory_space<vmem>> -> memref<1x80xf32, #tpu.memory_space<vmem>>
        %dma_wait3A_36 = tpu.memref_squeeze %dma_wait3A_35 : memref<1x80xf32, #tpu.memory_space<vmem>> -> memref<80xf32, #tpu.memory_space<vmem>>
        %dma_wait3A_37 = arith.constant 0 : i32
        %dma_wait3A_38 = tpu.memref_slice %arg5[%scan3A_25, %dma_wait3A_37] : memref<125x80xi32, #tpu.memory_space<vmem>> -> memref<1x80xi32, #tpu.memory_space<vmem>>
        %dma_wait3A_39 = tpu.memref_squeeze %dma_wait3A_38 : memref<1x80xi32, #tpu.memory_space<vmem>> -> memref<80xi32, #tpu.memory_space<vmem>>
        %dma_wait3A_40 = arith.constant 0 : i32
        %dma_wait3A_41 = tpu.memref_slice %arg8[%dma_wait3A_40] : memref<10240xf32, #tpu.memory_space<vmem_shared>> -> memref<10240xf32, #tpu.memory_space<vmem_shared>>
        tpu.wait_indirect_dma semaphore(%run_scoped3A : memref<!tpu.dma_semaphore, #tpu.memory_space<semaphore_mem>>) src(%dma_wait3A_36 : memref<80xf32, #tpu.memory_space<vmem>>) dst(%dma_wait3A_41 : memref<10240xf32, #tpu.memory_space<vmem_shared>>)
        tpu.yield
      }) : () -> ()
      %scan3A_27 = arith.constant 0 : i32
      scf.yield %scan3A_27 : i32
    }
    %scan3A_19 = arith.constant 125 : i32
    %barrier3A_20 = arith.constant 0 : index
    tpu.barrier barrier_id(%barrier3A_20)
    %mul3A_21 = arith.constant 640 : i32
    %mul3A_22 = arith.muli %arg1, %mul3A_21 : i32
    %mul3A_23 = arith.constant 640 : i32
    %mul3A_24 = arith.muli %arg1, %mul3A_23 : i32
    "tpu.region"() ({
      %run_scoped3A = tpu.sem_alloc : memref<!tpu.dma_semaphore, #tpu.memory_space<semaphore_mem>>
      %dma_start3A = tpu.memref_slice %arg4[%arg0, %mul3A_24] : memref<2x10240xf32, #tpu.memory_space<hbm>> -> memref<1x640xf32, #tpu.memory_space<hbm>>
      %dma_start3A_25 = tpu.memref_squeeze %dma_start3A : memref<1x640xf32, #tpu.memory_space<hbm>> -> memref<640xf32, #tpu.memory_space<hbm>>
      %dma_start3A_26 = tpu.memref_slice %arg8[%mul3A_22] : memref<10240xf32, #tpu.memory_space<vmem_shared>> -> memref<640xf32, #tpu.memory_space<vmem_shared>>
      tpu.enqueue_dma source(%dma_start3A_26 : memref<640xf32, #tpu.memory_space<vmem_shared>>) target(%dma_start3A_25 : memref<640xf32, #tpu.memory_space<hbm>>) target_semaphore(%run_scoped3A : memref<!tpu.dma_semaphore, #tpu.memory_space<semaphore_mem>>)
      %dma_wait3A = tpu.memref_slice %arg4[%arg0, %mul3A_24] : memref<2x10240xf32, #tpu.memory_space<hbm>> -> memref<1x640xf32, #tpu.memory_space<hbm>>
      %dma_wait3A_27 = tpu.memref_squeeze %dma_wait3A : memref<1x640xf32, #tpu.memory_space<hbm>> -> memref<640xf32, #tpu.memory_space<hbm>>
      %dma_wait3A_28 = tpu.memref_slice %arg8[%mul3A_22] : memref<10240xf32, #tpu.memory_space<vmem_shared>> -> memref<640xf32, #tpu.memory_space<vmem_shared>>
      tpu.wait_dma2 semaphore(%run_scoped3A : memref<!tpu.dma_semaphore, #tpu.memory_space<semaphore_mem>>) src(%dma_wait3A_28 : memref<640xf32, #tpu.memory_space<vmem_shared>>) dst(%dma_wait3A_27 : memref<640xf32, #tpu.memory_space<hbm>>)
      tpu.yield
    }) : () -> ()
    return
  }
}

#map = affine_map<(d0, d1) -> (0, 0)>
#map1 = affine_map<(d0, d1) -> (0, 0, 0)>
module attributes {stable_mosaic.version = 14 : i64} {
  func.func @_agg_body(%arg0: i32, %arg1: i32, %arg2: memref<4000x80xi32, #tpu.memory_space<hbm>>, %arg3: memref<4000x80xi32, #tpu.memory_space<hbm>>, %arg4: memref<4000x80xf32, #tpu.memory_space<hbm>>, %arg5: memref<10000x128xf32, #tpu.memory_space<hbm>>, %arg6: memref<2x10240x128xf32, #tpu.memory_space<hbm>>, %arg7: memref<125x80xi32, #tpu.memory_space<vmem>>, %arg8: memref<125x80xi32, #tpu.memory_space<vmem>>, %arg9: memref<125x80xf32, #tpu.memory_space<vmem>>, %arg10: memref<80x128xf32, #tpu.memory_space<vmem>>, %arg11: memref<10240x128xf32, #tpu.memory_space<vmem_shared>>, %arg12: memref<!tpu.dma_semaphore, #tpu.memory_space<semaphore_mem>>) attributes {dimension_semantics = [#tpu.dimension_semantics<core_parallel>, #tpu.dimension_semantics<subcore_parallel>], iteration_bounds = array<i64: 2, 16>, scalar_prefetch = 0 : i64, scratch_operands = 6 : i64, tpu.core_type = #tpu.core_type<sc_vector_subcore>, window_params = [{transform_indices = #map}, {transform_indices = #map}, {transform_indices = #map}, {transform_indices = #map}, {transform_indices = #map1}]} {
    %mul3A = arith.constant 16 : i32
    %mul3A_0 = arith.muli %arg0, %mul3A : i32
    %add3A = arith.addi %mul3A_0, %arg1 : i32
    %scan3A = arith.constant 0 : i32
    %scan3A_1 = arith.constant 0 : i32
    %scan3A_2 = arith.constant 80 : i32
    %scan3A_3 = arith.addi %scan3A_1, %scan3A_2 : i32
    %scan3A_4 = arith.constant 1 : i32
    %scan3A_5 = scf.for %scan3A_32 = %scan3A_1 to %scan3A_3 step %scan3A_4 iter_args(%scan3A_33 = %scan3A) -> (i32)  : i32 {
      %broadcast_in_dim3A = arith.constant 0.000000e+00 : f32
      %broadcast_in_dim3A_34 = vector.broadcast %broadcast_in_dim3A : f32 to vector<16xf32>
      %swap3A = arith.index_cast %scan3A_32 : i32 to index
      %swap3A_35 = arith.constant 0 : index
      %swap3A_36 = tpu.vector_load %arg10[%swap3A, %swap3A_35] {strides = array<i32>} : memref<80x128xf32, #tpu.memory_space<vmem>>, vector<16xf32>,
      tpu.vector_store %arg10[%swap3A, %swap3A_35], %broadcast_in_dim3A_34 {strides = array<i32>} : memref<80x128xf32, #tpu.memory_space<vmem>>, vector<16xf32>,
      %broadcast_in_dim3A_37 = arith.constant 0.000000e+00 : f32
      %broadcast_in_dim3A_38 = vector.broadcast %broadcast_in_dim3A_37 : f32 to vector<16xf32>
      %swap3A_39 = arith.index_cast %scan3A_32 : i32 to index
      %swap3A_40 = arith.constant 16 : index
      %swap3A_41 = tpu.vector_load %arg10[%swap3A_39, %swap3A_40] {strides = array<i32>} : memref<80x128xf32, #tpu.memory_space<vmem>>, vector<16xf32>,
      tpu.vector_store %arg10[%swap3A_39, %swap3A_40], %broadcast_in_dim3A_38 {strides = array<i32>} : memref<80x128xf32, #tpu.memory_space<vmem>>, vector<16xf32>,
      %broadcast_in_dim3A_42 = arith.constant 0.000000e+00 : f32
      %broadcast_in_dim3A_43 = vector.broadcast %broadcast_in_dim3A_42 : f32 to vector<16xf32>
      %swap3A_44 = arith.index_cast %scan3A_32 : i32 to index
      %swap3A_45 = arith.constant 32 : index
      %swap3A_46 = tpu.vector_load %arg10[%swap3A_44, %swap3A_45] {strides = array<i32>} : memref<80x128xf32, #tpu.memory_space<vmem>>, vector<16xf32>,
      tpu.vector_store %arg10[%swap3A_44, %swap3A_45], %broadcast_in_dim3A_43 {strides = array<i32>} : memref<80x128xf32, #tpu.memory_space<vmem>>, vector<16xf32>,
      %broadcast_in_dim3A_47 = arith.constant 0.000000e+00 : f32
      %broadcast_in_dim3A_48 = vector.broadcast %broadcast_in_dim3A_47 : f32 to vector<16xf32>
      %swap3A_49 = arith.index_cast %scan3A_32 : i32 to index
      %swap3A_50 = arith.constant 48 : index
      %swap3A_51 = tpu.vector_load %arg10[%swap3A_49, %swap3A_50] {strides = array<i32>} : memref<80x128xf32, #tpu.memory_space<vmem>>, vector<16xf32>,
      tpu.vector_store %arg10[%swap3A_49, %swap3A_50], %broadcast_in_dim3A_48 {strides = array<i32>} : memref<80x128xf32, #tpu.memory_space<vmem>>, vector<16xf32>,
      %broadcast_in_dim3A_52 = arith.constant 0.000000e+00 : f32
      %broadcast_in_dim3A_53 = vector.broadcast %broadcast_in_dim3A_52 : f32 to vector<16xf32>
      %swap3A_54 = arith.index_cast %scan3A_32 : i32 to index
      %swap3A_55 = arith.constant 64 : index
      %swap3A_56 = tpu.vector_load %arg10[%swap3A_54, %swap3A_55] {strides = array<i32>} : memref<80x128xf32, #tpu.memory_space<vmem>>, vector<16xf32>,
      tpu.vector_store %arg10[%swap3A_54, %swap3A_55], %broadcast_in_dim3A_53 {strides = array<i32>} : memref<80x128xf32, #tpu.memory_space<vmem>>, vector<16xf32>,
      %broadcast_in_dim3A_57 = arith.constant 0.000000e+00 : f32
      %broadcast_in_dim3A_58 = vector.broadcast %broadcast_in_dim3A_57 : f32 to vector<16xf32>
      %swap3A_59 = arith.index_cast %scan3A_32 : i32 to index
      %swap3A_60 = arith.constant 80 : index
      %swap3A_61 = tpu.vector_load %arg10[%swap3A_59, %swap3A_60] {strides = array<i32>} : memref<80x128xf32, #tpu.memory_space<vmem>>, vector<16xf32>,
      tpu.vector_store %arg10[%swap3A_59, %swap3A_60], %broadcast_in_dim3A_58 {strides = array<i32>} : memref<80x128xf32, #tpu.memory_space<vmem>>, vector<16xf32>,
      %broadcast_in_dim3A_62 = arith.constant 0.000000e+00 : f32
      %broadcast_in_dim3A_63 = vector.broadcast %broadcast_in_dim3A_62 : f32 to vector<16xf32>
      %swap3A_64 = arith.index_cast %scan3A_32 : i32 to index
      %swap3A_65 = arith.constant 96 : index
      %swap3A_66 = tpu.vector_load %arg10[%swap3A_64, %swap3A_65] {strides = array<i32>} : memref<80x128xf32, #tpu.memory_space<vmem>>, vector<16xf32>,
      tpu.vector_store %arg10[%swap3A_64, %swap3A_65], %broadcast_in_dim3A_63 {strides = array<i32>} : memref<80x128xf32, #tpu.memory_space<vmem>>, vector<16xf32>,
      %broadcast_in_dim3A_67 = arith.constant 0.000000e+00 : f32
      %broadcast_in_dim3A_68 = vector.broadcast %broadcast_in_dim3A_67 : f32 to vector<16xf32>
      %swap3A_69 = arith.index_cast %scan3A_32 : i32 to index
      %swap3A_70 = arith.constant 112 : index
      %swap3A_71 = tpu.vector_load %arg10[%swap3A_69, %swap3A_70] {strides = array<i32>} : memref<80x128xf32, #tpu.memory_space<vmem>>, vector<16xf32>,
      tpu.vector_store %arg10[%swap3A_69, %swap3A_70], %broadcast_in_dim3A_68 {strides = array<i32>} : memref<80x128xf32, #tpu.memory_space<vmem>>, vector<16xf32>,
      %scan3A_72 = arith.constant 0 : i32
      scf.yield %scan3A_72 : i32
    }
    %scan3A_6 = arith.constant 80 : i32
    %scan3A_7 = arith.constant 0 : i32
    %scan3A_8 = arith.constant 0 : i32
    %scan3A_9 = arith.constant 8 : i32
    %scan3A_10 = arith.addi %scan3A_8, %scan3A_9 : i32
    %scan3A_11 = arith.constant 1 : i32
    %scan3A_12 = scf.for %scan3A_32 = %scan3A_8 to %scan3A_10 step %scan3A_11 iter_args(%scan3A_33 = %scan3A_7) -> (i32)  : i32 {
      %mul3A_34 = arith.constant 640 : i32
      %mul3A_35 = arith.muli %arg1, %mul3A_34 : i32
      %mul3A_36 = arith.constant 80 : i32
      %mul3A_37 = arith.muli %scan3A_32, %mul3A_36 : i32
      %add3A_38 = arith.addi %mul3A_35, %mul3A_37 : i32
      "tpu.region"() ({
        %run_scoped3A = tpu.sem_alloc : memref<!tpu.dma_semaphore, #tpu.memory_space<semaphore_mem>>
        %dma_start3A = arith.constant 0 : i32
        %dma_start3A_40 = tpu.memref_slice %arg11[%add3A_38, %dma_start3A] : memref<10240x128xf32, #tpu.memory_space<vmem_shared>> -> memref<80x128xf32, #tpu.memory_space<vmem_shared>>
        %dma_start3A_41 = arith.constant 0 : i32
        %dma_start3A_42 = tpu.memref_slice %arg11[%add3A_38, %dma_start3A_41] : memref<10240x128xf32, #tpu.memory_space<vmem_shared>> -> memref<80x128xf32, #tpu.memory_space<vmem_shared>>
        tpu.enqueue_dma source(%arg10 : memref<80x128xf32, #tpu.memory_space<vmem>>) target(%dma_start3A_42 : memref<80x128xf32, #tpu.memory_space<vmem_shared>>) target_semaphore(%run_scoped3A : memref<!tpu.dma_semaphore, #tpu.memory_space<semaphore_mem>>)
        %dma_wait3A = arith.constant 0 : i32
        %dma_wait3A_43 = tpu.memref_slice %arg11[%add3A_38, %dma_wait3A] : memref<10240x128xf32, #tpu.memory_space<vmem_shared>> -> memref<80x128xf32, #tpu.memory_space<vmem_shared>>
        %dma_wait3A_44 = arith.constant 0 : i32
        %dma_wait3A_45 = tpu.memref_slice %arg11[%add3A_38, %dma_wait3A_44] : memref<10240x128xf32, #tpu.memory_space<vmem_shared>> -> memref<80x128xf32, #tpu.memory_space<vmem_shared>>
        tpu.wait_dma2 semaphore(%run_scoped3A : memref<!tpu.dma_semaphore, #tpu.memory_space<semaphore_mem>>) src(%arg10 : memref<80x128xf32, #tpu.memory_space<vmem>>) dst(%dma_wait3A_45 : memref<80x128xf32, #tpu.memory_space<vmem_shared>>)
        tpu.yield
      }) : () -> ()
      %scan3A_39 = arith.constant 0 : i32
      scf.yield %scan3A_39 : i32
    }
    %scan3A_13 = arith.constant 8 : i32
    %barrier3A = arith.constant 0 : index
    tpu.barrier barrier_id(%barrier3A)
    %mul3A_14 = arith.constant 125 : i32
    %mul3A_15 = arith.muli %add3A, %mul3A_14 : i32
    "tpu.region"() ({
      %run_scoped3A = tpu.sem_alloc : memref<!tpu.dma_semaphore, #tpu.memory_space<semaphore_mem>>
      %dma_start3A = arith.constant 0 : i32
      %dma_start3A_32 = tpu.memref_slice %arg2[%mul3A_15, %dma_start3A] : memref<4000x80xi32, #tpu.memory_space<hbm>> -> memref<125x80xi32, #tpu.memory_space<hbm>>
      %dma_start3A_33 = arith.constant 0 : i32
      %dma_start3A_34 = tpu.memref_slice %arg2[%mul3A_15, %dma_start3A_33] : memref<4000x80xi32, #tpu.memory_space<hbm>> -> memref<125x80xi32, #tpu.memory_space<hbm>>
      tpu.enqueue_dma source(%dma_start3A_34 : memref<125x80xi32, #tpu.memory_space<hbm>>) target(%arg7 : memref<125x80xi32, #tpu.memory_space<vmem>>) target_semaphore(%run_scoped3A : memref<!tpu.dma_semaphore, #tpu.memory_space<semaphore_mem>>)
      %dma_wait3A = arith.constant 0 : i32
      %dma_wait3A_35 = tpu.memref_slice %arg2[%mul3A_15, %dma_wait3A] : memref<4000x80xi32, #tpu.memory_space<hbm>> -> memref<125x80xi32, #tpu.memory_space<hbm>>
      %dma_wait3A_36 = arith.constant 0 : i32
      %dma_wait3A_37 = tpu.memref_slice %arg2[%mul3A_15, %dma_wait3A_36] : memref<4000x80xi32, #tpu.memory_space<hbm>> -> memref<125x80xi32, #tpu.memory_space<hbm>>
      tpu.wait_dma2 semaphore(%run_scoped3A : memref<!tpu.dma_semaphore, #tpu.memory_space<semaphore_mem>>) src(%dma_wait3A_37 : memref<125x80xi32, #tpu.memory_space<hbm>>) dst(%arg7 : memref<125x80xi32, #tpu.memory_space<vmem>>)
      tpu.yield
    }) : () -> ()
    %mul3A_16 = arith.constant 125 : i32
    %mul3A_17 = arith.muli %add3A, %mul3A_16 : i32
    "tpu.region"() ({
      %run_scoped3A = tpu.sem_alloc : memref<!tpu.dma_semaphore, #tpu.memory_space<semaphore_mem>>
      %dma_start3A = arith.constant 0 : i32
      %dma_start3A_32 = tpu.memref_slice %arg3[%mul3A_17, %dma_start3A] : memref<4000x80xi32, #tpu.memory_space<hbm>> -> memref<125x80xi32, #tpu.memory_space<hbm>>
      %dma_start3A_33 = arith.constant 0 : i32
      %dma_start3A_34 = tpu.memref_slice %arg3[%mul3A_17, %dma_start3A_33] : memref<4000x80xi32, #tpu.memory_space<hbm>> -> memref<125x80xi32, #tpu.memory_space<hbm>>
      tpu.enqueue_dma source(%dma_start3A_34 : memref<125x80xi32, #tpu.memory_space<hbm>>) target(%arg8 : memref<125x80xi32, #tpu.memory_space<vmem>>) target_semaphore(%run_scoped3A : memref<!tpu.dma_semaphore, #tpu.memory_space<semaphore_mem>>)
      %dma_wait3A = arith.constant 0 : i32
      %dma_wait3A_35 = tpu.memref_slice %arg3[%mul3A_17, %dma_wait3A] : memref<4000x80xi32, #tpu.memory_space<hbm>> -> memref<125x80xi32, #tpu.memory_space<hbm>>
      %dma_wait3A_36 = arith.constant 0 : i32
      %dma_wait3A_37 = tpu.memref_slice %arg3[%mul3A_17, %dma_wait3A_36] : memref<4000x80xi32, #tpu.memory_space<hbm>> -> memref<125x80xi32, #tpu.memory_space<hbm>>
      tpu.wait_dma2 semaphore(%run_scoped3A : memref<!tpu.dma_semaphore, #tpu.memory_space<semaphore_mem>>) src(%dma_wait3A_37 : memref<125x80xi32, #tpu.memory_space<hbm>>) dst(%arg8 : memref<125x80xi32, #tpu.memory_space<vmem>>)
      tpu.yield
    }) : () -> ()
    %mul3A_18 = arith.constant 125 : i32
    %mul3A_19 = arith.muli %add3A, %mul3A_18 : i32
    "tpu.region"() ({
      %run_scoped3A = tpu.sem_alloc : memref<!tpu.dma_semaphore, #tpu.memory_space<semaphore_mem>>
      %dma_start3A = arith.constant 0 : i32
      %dma_start3A_32 = tpu.memref_slice %arg4[%mul3A_19, %dma_start3A] : memref<4000x80xf32, #tpu.memory_space<hbm>> -> memref<125x80xf32, #tpu.memory_space<hbm>>
      %dma_start3A_33 = arith.constant 0 : i32
      %dma_start3A_34 = tpu.memref_slice %arg4[%mul3A_19, %dma_start3A_33] : memref<4000x80xf32, #tpu.memory_space<hbm>> -> memref<125x80xf32, #tpu.memory_space<hbm>>
      tpu.enqueue_dma source(%dma_start3A_34 : memref<125x80xf32, #tpu.memory_space<hbm>>) target(%arg9 : memref<125x80xf32, #tpu.memory_space<vmem>>) target_semaphore(%run_scoped3A : memref<!tpu.dma_semaphore, #tpu.memory_space<semaphore_mem>>)
      %dma_wait3A = arith.constant 0 : i32
      %dma_wait3A_35 = tpu.memref_slice %arg4[%mul3A_19, %dma_wait3A] : memref<4000x80xf32, #tpu.memory_space<hbm>> -> memref<125x80xf32, #tpu.memory_space<hbm>>
      %dma_wait3A_36 = arith.constant 0 : i32
      %dma_wait3A_37 = tpu.memref_slice %arg4[%mul3A_19, %dma_wait3A_36] : memref<4000x80xf32, #tpu.memory_space<hbm>> -> memref<125x80xf32, #tpu.memory_space<hbm>>
      tpu.wait_dma2 semaphore(%run_scoped3A : memref<!tpu.dma_semaphore, #tpu.memory_space<semaphore_mem>>) src(%dma_wait3A_37 : memref<125x80xf32, #tpu.memory_space<hbm>>) dst(%arg9 : memref<125x80xf32, #tpu.memory_space<vmem>>)
      tpu.yield
    }) : () -> ()
    %scan3A_20 = arith.constant 0 : i32
    %scan3A_21 = arith.constant 0 : i32
    %scan3A_22 = arith.constant 125 : i32
    %scan3A_23 = arith.addi %scan3A_21, %scan3A_22 : i32
    %scan3A_24 = arith.constant 1 : i32
    %scan3A_25 = scf.for %scan3A_32 = %scan3A_21 to %scan3A_23 step %scan3A_24 iter_args(%scan3A_33 = %scan3A_20) -> (i32)  : i32 {
      %dma_start3A = arith.constant 0 : i32
      %dma_start3A_34 = tpu.memref_slice %arg7[%scan3A_32, %dma_start3A] : memref<125x80xi32, #tpu.memory_space<vmem>> -> memref<1x80xi32, #tpu.memory_space<vmem>>
      %dma_start3A_35 = tpu.memref_squeeze %dma_start3A_34 : memref<1x80xi32, #tpu.memory_space<vmem>> -> memref<80xi32, #tpu.memory_space<vmem>>
      %dma_start3A_36 = arith.constant 0 : i32
      %dma_start3A_37 = arith.constant 0 : i32
      %dma_start3A_38 = tpu.memref_slice %arg5[%dma_start3A_36, %dma_start3A_37] : memref<10000x128xf32, #tpu.memory_space<hbm>> -> memref<10000x128xf32, #tpu.memory_space<hbm>>
      tpu.enqueue_indirect_dma source(%dma_start3A_38 : memref<10000x128xf32, #tpu.memory_space<hbm>>) target(%arg10 : memref<80x128xf32, #tpu.memory_space<vmem>>) offsets(%dma_start3A_35 : memref<80xi32, #tpu.memory_space<vmem>>) semaphore(%arg12 : memref<!tpu.dma_semaphore, #tpu.memory_space<semaphore_mem>>)
      %dma_wait3A = arith.constant 0 : i32
      %dma_wait3A_39 = tpu.memref_slice %arg7[%scan3A_32, %dma_wait3A] : memref<125x80xi32, #tpu.memory_space<vmem>> -> memref<1x80xi32, #tpu.memory_space<vmem>>
      %dma_wait3A_40 = tpu.memref_squeeze %dma_wait3A_39 : memref<1x80xi32, #tpu.memory_space<vmem>> -> memref<80xi32, #tpu.memory_space<vmem>>
      %dma_wait3A_41 = arith.constant 0 : i32
      %dma_wait3A_42 = arith.constant 0 : i32
      %dma_wait3A_43 = tpu.memref_slice %arg5[%dma_wait3A_41, %dma_wait3A_42] : memref<10000x128xf32, #tpu.memory_space<hbm>> -> memref<10000x128xf32, #tpu.memory_space<hbm>>
      tpu.wait_indirect_dma semaphore(%arg12 : memref<!tpu.dma_semaphore, #tpu.memory_space<semaphore_mem>>) src(%dma_wait3A_43 : memref<10000x128xf32, #tpu.memory_space<hbm>>) dst(%arg10 : memref<80x128xf32, #tpu.memory_space<vmem>>)
      %scan3A_44 = arith.constant 0 : i32
      %scan3A_45 = arith.constant 0 : i32
      %scan3A_46 = arith.constant 80 : i32
      %scan3A_47 = arith.addi %scan3A_45, %scan3A_46 : i32
      %scan3A_48 = arith.constant 1 : i32
      %scan3A_49 = scf.for %scan3A_52 = %scan3A_45 to %scan3A_47 step %scan3A_48 iter_args(%scan3A_53 = %scan3A_44) -> (i32)  : i32 {
        %broadcast_in_dim3A = vector.broadcast %scan3A_52 : i32 to vector<16xi32>
        %gather3A = arith.constant 0 : i32
        %gather3A_54 = tpu.memref_slice %arg9[%scan3A_32, %gather3A] : memref<125x80xf32, #tpu.memory_space<vmem>> -> memref<1x80xf32, #tpu.memory_space<vmem>>
        %gather3A_55 = tpu.memref_squeeze %gather3A_54 : memref<1x80xf32, #tpu.memory_space<vmem>> -> memref<80xf32, #tpu.memory_space<vmem>>
        %gather3A_56 = tpu.vector_load_idx %gather3A_55[%broadcast_in_dim3A] : memref<80xf32, #tpu.memory_space<vmem>>[vector<16xi32>], vector<16xf32>,
        %get3A = arith.index_cast %scan3A_52 : i32 to index
        %get3A_57 = arith.constant 0 : index
        %get3A_58 = tpu.vector_load %arg10[%get3A, %get3A_57] {strides = array<i32>} : memref<80x128xf32, #tpu.memory_space<vmem>>, vector<16xf32>,
        %mul3A_59 = arith.mulf %get3A_58, %gather3A_56 : vector<16xf32>
        %swap3A = arith.index_cast %scan3A_52 : i32 to index
        %swap3A_60 = arith.constant 0 : index
        %swap3A_61 = tpu.vector_load %arg10[%swap3A, %swap3A_60] {strides = array<i32>} : memref<80x128xf32, #tpu.memory_space<vmem>>, vector<16xf32>,
        tpu.vector_store %arg10[%swap3A, %swap3A_60], %mul3A_59 {strides = array<i32>} : memref<80x128xf32, #tpu.memory_space<vmem>>, vector<16xf32>,
        %get3A_62 = arith.index_cast %scan3A_52 : i32 to index
        %get3A_63 = arith.constant 16 : index
        %get3A_64 = tpu.vector_load %arg10[%get3A_62, %get3A_63] {strides = array<i32>} : memref<80x128xf32, #tpu.memory_space<vmem>>, vector<16xf32>,
        %mul3A_65 = arith.mulf %get3A_64, %gather3A_56 : vector<16xf32>
        %swap3A_66 = arith.index_cast %scan3A_52 : i32 to index
        %swap3A_67 = arith.constant 16 : index
        %swap3A_68 = tpu.vector_load %arg10[%swap3A_66, %swap3A_67] {strides = array<i32>} : memref<80x128xf32, #tpu.memory_space<vmem>>, vector<16xf32>,
        tpu.vector_store %arg10[%swap3A_66, %swap3A_67], %mul3A_65 {strides = array<i32>} : memref<80x128xf32, #tpu.memory_space<vmem>>, vector<16xf32>,
        %get3A_69 = arith.index_cast %scan3A_52 : i32 to index
        %get3A_70 = arith.constant 32 : index
        %get3A_71 = tpu.vector_load %arg10[%get3A_69, %get3A_70] {strides = array<i32>} : memref<80x128xf32, #tpu.memory_space<vmem>>, vector<16xf32>,
        %mul3A_72 = arith.mulf %get3A_71, %gather3A_56 : vector<16xf32>
        %swap3A_73 = arith.index_cast %scan3A_52 : i32 to index
        %swap3A_74 = arith.constant 32 : index
        %swap3A_75 = tpu.vector_load %arg10[%swap3A_73, %swap3A_74] {strides = array<i32>} : memref<80x128xf32, #tpu.memory_space<vmem>>, vector<16xf32>,
        tpu.vector_store %arg10[%swap3A_73, %swap3A_74], %mul3A_72 {strides = array<i32>} : memref<80x128xf32, #tpu.memory_space<vmem>>, vector<16xf32>,
        %get3A_76 = arith.index_cast %scan3A_52 : i32 to index
        %get3A_77 = arith.constant 48 : index
        %get3A_78 = tpu.vector_load %arg10[%get3A_76, %get3A_77] {strides = array<i32>} : memref<80x128xf32, #tpu.memory_space<vmem>>, vector<16xf32>,
        %mul3A_79 = arith.mulf %get3A_78, %gather3A_56 : vector<16xf32>
        %swap3A_80 = arith.index_cast %scan3A_52 : i32 to index
        %swap3A_81 = arith.constant 48 : index
        %swap3A_82 = tpu.vector_load %arg10[%swap3A_80, %swap3A_81] {strides = array<i32>} : memref<80x128xf32, #tpu.memory_space<vmem>>, vector<16xf32>,
        tpu.vector_store %arg10[%swap3A_80, %swap3A_81], %mul3A_79 {strides = array<i32>} : memref<80x128xf32, #tpu.memory_space<vmem>>, vector<16xf32>,
        %get3A_83 = arith.index_cast %scan3A_52 : i32 to index
        %get3A_84 = arith.constant 64 : index
        %get3A_85 = tpu.vector_load %arg10[%get3A_83, %get3A_84] {strides = array<i32>} : memref<80x128xf32, #tpu.memory_space<vmem>>, vector<16xf32>,
        %mul3A_86 = arith.mulf %get3A_85, %gather3A_56 : vector<16xf32>
        %swap3A_87 = arith.index_cast %scan3A_52 : i32 to index
        %swap3A_88 = arith.constant 64 : index
        %swap3A_89 = tpu.vector_load %arg10[%swap3A_87, %swap3A_88] {strides = array<i32>} : memref<80x128xf32, #tpu.memory_space<vmem>>, vector<16xf32>,
        tpu.vector_store %arg10[%swap3A_87, %swap3A_88], %mul3A_86 {strides = array<i32>} : memref<80x128xf32, #tpu.memory_space<vmem>>, vector<16xf32>,
        %get3A_90 = arith.index_cast %scan3A_52 : i32 to index
        %get3A_91 = arith.constant 80 : index
        %get3A_92 = tpu.vector_load %arg10[%get3A_90, %get3A_91] {strides = array<i32>} : memref<80x128xf32, #tpu.memory_space<vmem>>, vector<16xf32>,
        %mul3A_93 = arith.mulf %get3A_92, %gather3A_56 : vector<16xf32>
        %swap3A_94 = arith.index_cast %scan3A_52 : i32 to index
        %swap3A_95 = arith.constant 80 : index
        %swap3A_96 = tpu.vector_load %arg10[%swap3A_94, %swap3A_95] {strides = array<i32>} : memref<80x128xf32, #tpu.memory_space<vmem>>, vector<16xf32>,
        tpu.vector_store %arg10[%swap3A_94, %swap3A_95], %mul3A_93 {strides = array<i32>} : memref<80x128xf32, #tpu.memory_space<vmem>>, vector<16xf32>,
        %get3A_97 = arith.index_cast %scan3A_52 : i32 to index
        %get3A_98 = arith.constant 96 : index
        %get3A_99 = tpu.vector_load %arg10[%get3A_97, %get3A_98] {strides = array<i32>} : memref<80x128xf32, #tpu.memory_space<vmem>>, vector<16xf32>,
        %mul3A_100 = arith.mulf %get3A_99, %gather3A_56 : vector<16xf32>
        %swap3A_101 = arith.index_cast %scan3A_52 : i32 to index
        %swap3A_102 = arith.constant 96 : index
        %swap3A_103 = tpu.vector_load %arg10[%swap3A_101, %swap3A_102] {strides = array<i32>} : memref<80x128xf32, #tpu.memory_space<vmem>>, vector<16xf32>,
        tpu.vector_store %arg10[%swap3A_101, %swap3A_102], %mul3A_100 {strides = array<i32>} : memref<80x128xf32, #tpu.memory_space<vmem>>, vector<16xf32>,
        %get3A_104 = arith.index_cast %scan3A_52 : i32 to index
        %get3A_105 = arith.constant 112 : index
        %get3A_106 = tpu.vector_load %arg10[%get3A_104, %get3A_105] {strides = array<i32>} : memref<80x128xf32, #tpu.memory_space<vmem>>, vector<16xf32>,
        %mul3A_107 = arith.mulf %get3A_106, %gather3A_56 : vector<16xf32>
        %swap3A_108 = arith.index_cast %scan3A_52 : i32 to index
        %swap3A_109 = arith.constant 112 : index
        %swap3A_110 = tpu.vector_load %arg10[%swap3A_108, %swap3A_109] {strides = array<i32>} : memref<80x128xf32, #tpu.memory_space<vmem>>, vector<16xf32>,
        tpu.vector_store %arg10[%swap3A_108, %swap3A_109], %mul3A_107 {strides = array<i32>} : memref<80x128xf32, #tpu.memory_space<vmem>>, vector<16xf32>,
        %scan3A_111 = arith.constant 0 : i32
        scf.yield %scan3A_111 : i32
      }
      %scan3A_50 = arith.constant 80 : i32
      "tpu.region"() ({
        %run_scoped3A = tpu.sem_alloc : memref<!tpu.dma_semaphore, #tpu.memory_space<semaphore_mem>>
        %dma_start3A_52 = arith.constant 0 : i32
        %dma_start3A_53 = tpu.memref_slice %arg8[%scan3A_32, %dma_start3A_52] : memref<125x80xi32, #tpu.memory_space<vmem>> -> memref<1x80xi32, #tpu.memory_space<vmem>>
        %dma_start3A_54 = tpu.memref_squeeze %dma_start3A_53 : memref<1x80xi32, #tpu.memory_space<vmem>> -> memref<80xi32, #tpu.memory_space<vmem>>
        %dma_start3A_55 = arith.constant 0 : i32
        %dma_start3A_56 = arith.constant 0 : i32
        %dma_start3A_57 = tpu.memref_slice %arg11[%dma_start3A_55, %dma_start3A_56] : memref<10240x128xf32, #tpu.memory_space<vmem_shared>> -> memref<10240x128xf32, #tpu.memory_space<vmem_shared>>
        tpu.enqueue_indirect_dma source(%arg10 : memref<80x128xf32, #tpu.memory_space<vmem>>) target(%dma_start3A_57 : memref<10240x128xf32, #tpu.memory_space<vmem_shared>>) offsets(%dma_start3A_54 : memref<80xi32, #tpu.memory_space<vmem>>) semaphore(%run_scoped3A : memref<!tpu.dma_semaphore, #tpu.memory_space<semaphore_mem>>) {add = true}
        %dma_wait3A_58 = arith.constant 0 : i32
        %dma_wait3A_59 = tpu.memref_slice %arg8[%scan3A_32, %dma_wait3A_58] : memref<125x80xi32, #tpu.memory_space<vmem>> -> memref<1x80xi32, #tpu.memory_space<vmem>>
        %dma_wait3A_60 = tpu.memref_squeeze %dma_wait3A_59 : memref<1x80xi32, #tpu.memory_space<vmem>> -> memref<80xi32, #tpu.memory_space<vmem>>
        %dma_wait3A_61 = arith.constant 0 : i32
        %dma_wait3A_62 = arith.constant 0 : i32
        %dma_wait3A_63 = tpu.memref_slice %arg11[%dma_wait3A_61, %dma_wait3A_62] : memref<10240x128xf32, #tpu.memory_space<vmem_shared>> -> memref<10240x128xf32, #tpu.memory_space<vmem_shared>>
        tpu.wait_indirect_dma semaphore(%run_scoped3A : memref<!tpu.dma_semaphore, #tpu.memory_space<semaphore_mem>>) src(%arg10 : memref<80x128xf32, #tpu.memory_space<vmem>>) dst(%dma_wait3A_63 : memref<10240x128xf32, #tpu.memory_space<vmem_shared>>)
        tpu.yield
      }) : () -> ()
      %scan3A_51 = arith.constant 0 : i32
      scf.yield %scan3A_51 : i32
    }
    %scan3A_26 = arith.constant 125 : i32
    %barrier3A_27 = arith.constant 0 : index
    tpu.barrier barrier_id(%barrier3A_27)
    %mul3A_28 = arith.constant 640 : i32
    %mul3A_29 = arith.muli %arg1, %mul3A_28 : i32
    %mul3A_30 = arith.constant 640 : i32
    %mul3A_31 = arith.muli %arg1, %mul3A_30 : i32
    "tpu.region"() ({
      %run_scoped3A = tpu.sem_alloc : memref<!tpu.dma_semaphore, #tpu.memory_space<semaphore_mem>>
      %dma_start3A = arith.constant 0 : i32
      %dma_start3A_32 = tpu.memref_slice %arg6[%arg0, %mul3A_31, %dma_start3A] : memref<2x10240x128xf32, #tpu.memory_space<hbm>> -> memref<1x640x128xf32, #tpu.memory_space<hbm>>
      %dma_start3A_33 = tpu.memref_squeeze %dma_start3A_32 : memref<1x640x128xf32, #tpu.memory_space<hbm>> -> memref<640x128xf32, #tpu.memory_space<hbm>>
      %dma_start3A_34 = arith.constant 0 : i32
      %dma_start3A_35 = tpu.memref_slice %arg11[%mul3A_29, %dma_start3A_34] : memref<10240x128xf32, #tpu.memory_space<vmem_shared>> -> memref<640x128xf32, #tpu.memory_space<vmem_shared>>
      tpu.enqueue_dma source(%dma_start3A_35 : memref<640x128xf32, #tpu.memory_space<vmem_shared>>) target(%dma_start3A_33 : memref<640x128xf32, #tpu.memory_space<hbm>>) target_semaphore(%run_scoped3A : memref<!tpu.dma_semaphore, #tpu.memory_space<semaphore_mem>>)
      %dma_wait3A = arith.constant 0 : i32
      %dma_wait3A_36 = tpu.memref_slice %arg6[%arg0, %mul3A_31, %dma_wait3A] : memref<2x10240x128xf32, #tpu.memory_space<hbm>> -> memref<1x640x128xf32, #tpu.memory_space<hbm>>
      %dma_wait3A_37 = tpu.memref_squeeze %dma_wait3A_36 : memref<1x640x128xf32, #tpu.memory_space<hbm>> -> memref<640x128xf32, #tpu.memory_space<hbm>>
      %dma_wait3A_38 = arith.constant 0 : i32
      %dma_wait3A_39 = tpu.memref_slice %arg11[%mul3A_29, %dma_wait3A_38] : memref<10240x128xf32, #tpu.memory_space<vmem_shared>> -> memref<640x128xf32, #tpu.memory_space<vmem_shared>>
      tpu.wait_dma2 semaphore(%run_scoped3A : memref<!tpu.dma_semaphore, #tpu.memory_space<semaphore_mem>>) src(%dma_wait3A_39 : memref<640x128xf32, #tpu.memory_space<vmem_shared>>) dst(%dma_wait3A_37 : memref<640x128xf32, #tpu.memory_space<hbm>>)
      tpu.yield
    }) : () -> ()
    return
  }
}

module attributes {stable_mosaic.version = 14 : i64} {
  func.func @_tc1_body(%arg0: i32, %arg1: memref<1024x128xf32, #tpu.memory_space<vmem>>, %arg2: memref<128x128xf32, #tpu.memory_space<vmem>>, %arg3: memref<1x128xf32, #tpu.memory_space<vmem>>, %arg4: memref<1024x1xf32, #tpu.memory_space<vmem>>, %arg5: memref<1024x1xf32, #tpu.memory_space<vmem>>, %arg6: memref<1024x128xf32, #tpu.memory_space<vmem>>, %arg7: memref<1024x128xf32, #tpu.memory_space<vmem>>) attributes {dimension_semantics = [#tpu.dimension_semantics<arbitrary>], iteration_bounds = array<i64: 10>, scalar_prefetch = 0 : i64, scratch_operands = 0 : i64, tpu.core_type = #tpu.core_type<tc>, window_params = [{transform_indices = @transform_0, window_bounds = array<i64: 1024, 128>}, {pipeline_mode = #tpu.pipeline_mode<synchronous>, transform_indices = @transform_1, window_bounds = array<i64: 128, 128>}, {pipeline_mode = #tpu.pipeline_mode<synchronous>, transform_indices = @transform_2, window_bounds = array<i64: 1, 128>}, {transform_indices = @transform_3, window_bounds = array<i64: 1024, 1>}, {transform_indices = @transform_4, window_bounds = array<i64: 1024, 1>}, {transform_indices = @transform_5, window_bounds = array<i64: 1024, 128>}, {transform_indices = @transform_6, window_bounds = array<i64: 1024, 128>}]} {
    %get3A = arith.constant 0 : index
    %get3A_0 = arith.constant 0 : index
    %get3A_1 = vector.load %arg4[%get3A, %get3A_0] : memref<1024x1xf32, #tpu.memory_space<vmem>>, vector<1024x1xf32>
    %get3A_2 = arith.constant 0 : index
    %get3A_3 = arith.constant 0 : index
    %get3A_4 = vector.load %arg5[%get3A_2, %get3A_3] : memref<1024x1xf32, #tpu.memory_space<vmem>>, vector<1024x1xf32>
    %add3A = arith.addf %get3A_1, %get3A_4 : vector<1024x1xf32>
    %add3A_5 = arith.constant 1.000000e+00 : f32
    %add3A_6 = vector.broadcast %add3A_5 : f32 to vector<1024x1xf32>
    %add3A_7 = arith.addf %add3A, %add3A_6 : vector<1024x1xf32>
    %rsqrt3A = math.rsqrt %add3A_7 : vector<1024x1xf32>
    %get3A_8 = arith.constant 0 : index
    %get3A_9 = arith.constant 0 : index
    %get3A_10 = vector.load %arg1[%get3A_8, %get3A_9] : memref<1024x128xf32, #tpu.memory_space<vmem>>, vector<1024x128xf32>
    %get3A_11 = arith.constant 0 : index
    %get3A_12 = arith.constant 0 : index
    %get3A_13 = vector.load %arg2[%get3A_11, %get3A_12] : memref<128x128xf32, #tpu.memory_space<vmem>>, vector<128x128xf32>
    %dot_general3A = arith.constant dense<0.000000e+00> : vector<1024x128xf32>
    %dot_general3A_14 = tpu.matmul %get3A_10, %get3A_13, %dot_general3A {dimension_numbers = #tpu.dot_dimension_numbers<[1], [0], [0], [1], [0, 0, 1, 1], [], []>, transpose_lhs_hint = false} : vector<1024x128xf32>, vector<128x128xf32>, vector<1024x128xf32> -> vector<1024x128xf32>
    %get3A_15 = arith.constant 0 : index
    %get3A_16 = arith.constant 0 : index
    %get3A_17 = vector.load %arg3[%get3A_15, %get3A_16] : memref<1x128xf32, #tpu.memory_space<vmem>>, vector<1x128xf32>
    %add3A_18 = vector.broadcast %get3A_17 : vector<1x128xf32> to vector<1024x128xf32>
    %add3A_19 = arith.addf %dot_general3A_14, %add3A_18 : vector<1024x128xf32>
    %swap3A = arith.constant 0 : index
    %swap3A_20 = arith.constant 0 : index
    %swap3A_21 = vector.load %arg6[%swap3A, %swap3A_20] : memref<1024x128xf32, #tpu.memory_space<vmem>>, vector<1024x128xf32>
    tpu.vector_store %arg6[%swap3A, %swap3A_20], %add3A_19 {strides = array<i32>} : memref<1024x128xf32, #tpu.memory_space<vmem>>, vector<1024x128xf32>,
    %mul3A = vector.broadcast %rsqrt3A : vector<1024x1xf32> to vector<1024x128xf32>
    %mul3A_22 = arith.mulf %add3A_19, %mul3A : vector<1024x128xf32>
    %swap3A_23 = arith.constant 0 : index
    %swap3A_24 = arith.constant 0 : index
    %swap3A_25 = vector.load %arg7[%swap3A_23, %swap3A_24] : memref<1024x128xf32, #tpu.memory_space<vmem>>, vector<1024x128xf32>
    tpu.vector_store %arg7[%swap3A_23, %swap3A_24], %mul3A_22 {strides = array<i32>} : memref<1024x128xf32, #tpu.memory_space<vmem>>, vector<1024x128xf32>,
    return
  }
  func.func @transform_0(%arg0: i32) -> (i32, i32) {
    %c0_i32 = arith.constant 0 : i32
    %c0_i32_0 = arith.constant 0 : i32
    return %arg0, %c0_i32 : i32, i32
  }
  func.func @transform_1(%arg0: i32) -> (i32, i32) {
    %c0_i32 = arith.constant 0 : i32
    %c0_i32_0 = arith.constant 0 : i32
    %c0_i32_1 = arith.constant 0 : i32
    return %c0_i32, %c0_i32_0 : i32, i32
  }
  func.func @transform_2(%arg0: i32) -> (i32, i32) {
    %c0_i32 = arith.constant 0 : i32
    %c0_i32_0 = arith.constant 0 : i32
    %c0_i32_1 = arith.constant 0 : i32
    return %c0_i32, %c0_i32_0 : i32, i32
  }
  func.func @transform_3(%arg0: i32) -> (i32, i32) {
    %c0_i32 = arith.constant 0 : i32
    %c0_i32_0 = arith.constant 0 : i32
    return %arg0, %c0_i32 : i32, i32
  }
  func.func @transform_4(%arg0: i32) -> (i32, i32) {
    %c0_i32 = arith.constant 0 : i32
    %c0_i32_0 = arith.constant 0 : i32
    return %arg0, %c0_i32 : i32, i32
  }
  func.func @transform_5(%arg0: i32) -> (i32, i32) {
    %c0_i32 = arith.constant 0 : i32
    %c0_i32_0 = arith.constant 0 : i32
    return %arg0, %c0_i32 : i32, i32
  }
  func.func @transform_6(%arg0: i32) -> (i32, i32) {
    %c0_i32 = arith.constant 0 : i32
    %c0_i32_0 = arith.constant 0 : i32
    return %arg0, %c0_i32 : i32, i32
  }
}

module attributes {stable_mosaic.version = 14 : i64} {
  func.func @_tc2_body(%arg0: i32, %arg1: memref<2x1024x128xf32, #tpu.memory_space<vmem>>, %arg2: memref<1024x128xf32, #tpu.memory_space<vmem>>, %arg3: memref<1024x1xf32, #tpu.memory_space<vmem>>, %arg4: memref<1024x1xf32, #tpu.memory_space<vmem>>, %arg5: memref<1024x1xi32, #tpu.memory_space<vmem>>, %arg6: memref<128x128xf32, #tpu.memory_space<vmem>>, %arg7: memref<1x128xf32, #tpu.memory_space<vmem>>, %arg8: memref<64x128xf32, #tpu.memory_space<vmem>>, %arg9: memref<1024x128xf32, #tpu.memory_space<vmem>>, %arg10: memref<64x128xf32, #tpu.memory_space<vmem>>, %arg11: memref<64x1xf32, #tpu.memory_space<vmem>>) attributes {dimension_semantics = [#tpu.dimension_semantics<arbitrary>], iteration_bounds = array<i64: 10>, scalar_prefetch = 0 : i64, scratch_operands = 2 : i64, tpu.core_type = #tpu.core_type<tc>, window_params = [{transform_indices = @transform_0, window_bounds = array<i64: 2, 1024, 128>}, {transform_indices = @transform_1, window_bounds = array<i64: 1024, 128>}, {transform_indices = @transform_2, window_bounds = array<i64: 1024, 1>}, {transform_indices = @transform_3, window_bounds = array<i64: 1024, 1>}, {transform_indices = @transform_4, window_bounds = array<i64: 1024, 1>}, {pipeline_mode = #tpu.pipeline_mode<synchronous>, transform_indices = @transform_5, window_bounds = array<i64: 128, 128>}, {pipeline_mode = #tpu.pipeline_mode<synchronous>, transform_indices = @transform_6, window_bounds = array<i64: 1, 128>}, {pipeline_mode = #tpu.pipeline_mode<synchronous>, transform_indices = @transform_7, window_bounds = array<i64: 64, 128>}, {transform_indices = @transform_8, window_bounds = array<i64: 1024, 128>}]} {
    %get3A = arith.constant 0 : index
    %get3A_0 = arith.constant 0 : index
    %get3A_1 = vector.load %arg3[%get3A, %get3A_0] : memref<1024x1xf32, #tpu.memory_space<vmem>>, vector<1024x1xf32>
    %get3A_2 = arith.constant 0 : index
    %get3A_3 = arith.constant 0 : index
    %get3A_4 = vector.load %arg4[%get3A_2, %get3A_3] : memref<1024x1xf32, #tpu.memory_space<vmem>>, vector<1024x1xf32>
    %add3A = arith.addf %get3A_1, %get3A_4 : vector<1024x1xf32>
    %add3A_5 = arith.constant 1.000000e+00 : f32
    %add3A_6 = vector.broadcast %add3A_5 : f32 to vector<1024x1xf32>
    %add3A_7 = arith.addf %add3A, %add3A_6 : vector<1024x1xf32>
    %rsqrt3A = math.rsqrt %add3A_7 : vector<1024x1xf32>
    %get3A_8 = arith.constant 0 : index
    %get3A_9 = arith.constant 0 : index
    %get3A_10 = arith.constant 0 : index
    %get3A_11 = vector.load %arg1[%get3A_8, %get3A_9, %get3A_10] : memref<2x1024x128xf32, #tpu.memory_space<vmem>>, vector<1x1024x128xf32>
    %get3A_12 = vector.shape_cast %get3A_11 : vector<1x1024x128xf32> to vector<1024x128xf32>
    %get3A_13 = arith.constant 1 : index
    %get3A_14 = arith.constant 0 : index
    %get3A_15 = arith.constant 0 : index
    %get3A_16 = vector.load %arg1[%get3A_13, %get3A_14, %get3A_15] : memref<2x1024x128xf32, #tpu.memory_space<vmem>>, vector<1x1024x128xf32>
    %get3A_17 = vector.shape_cast %get3A_16 : vector<1x1024x128xf32> to vector<1024x128xf32>
    %add3A_18 = arith.addf %get3A_12, %get3A_17 : vector<1024x128xf32>
    %mul3A = vector.broadcast %rsqrt3A : vector<1024x1xf32> to vector<1024x128xf32>
    %mul3A_19 = arith.mulf %mul3A, %add3A_18 : vector<1024x128xf32>
    %mul3A_20 = arith.mulf %rsqrt3A, %rsqrt3A : vector<1024x1xf32>
    %get3A_21 = arith.constant 0 : index
    %get3A_22 = arith.constant 0 : index
    %get3A_23 = vector.load %arg2[%get3A_21, %get3A_22] : memref<1024x128xf32, #tpu.memory_space<vmem>>, vector<1024x128xf32>
    %mul3A_24 = vector.broadcast %mul3A_20 : vector<1024x1xf32> to vector<1024x128xf32>
    %mul3A_25 = arith.mulf %mul3A_24, %get3A_23 : vector<1024x128xf32>
    %add3A_26 = arith.addf %mul3A_19, %mul3A_25 : vector<1024x128xf32>
    %tanh3A = math.tanh %add3A_26 : vector<1024x128xf32>
    %swap3A = arith.constant 0 : index
    %swap3A_27 = arith.constant 0 : index
    %swap3A_28 = vector.load %arg9[%swap3A, %swap3A_27] : memref<1024x128xf32, #tpu.memory_space<vmem>>, vector<1024x128xf32>
    tpu.vector_store %arg9[%swap3A, %swap3A_27], %tanh3A {strides = array<i32>} : memref<1024x128xf32, #tpu.memory_space<vmem>>, vector<1024x128xf32>,
    %iota3A = tpu.iota {dimensions = array<i32: 0>} : vector<1024x1xi32>
    %mul3A_29 = arith.constant 1024 : i32
    %mul3A_30 = arith.muli %arg0, %mul3A_29 : i32
    %add3A_31 = vector.broadcast %mul3A_30 : i32 to vector<1024x1xi32>
    %add3A_32 = arith.addi %iota3A, %add3A_31 : vector<1024x1xi32>
    %lt3A = arith.constant 10000 : i32
    %lt3A_33 = vector.broadcast %lt3A : i32 to vector<1024x1xi32>
    %lt3A_34 = arith.cmpi slt, %add3A_32, %lt3A_33 : vector<1024x1xi32>
    %iota3A_35 = tpu.iota {dimensions = array<i32: 1>} : vector<1024x64xi32>
    %get3A_36 = arith.constant 0 : index
    %get3A_37 = arith.constant 0 : index
    %get3A_38 = vector.load %arg5[%get3A_36, %get3A_37] : memref<1024x1xi32, #tpu.memory_space<vmem>>, vector<1024x1xi32>
    %eq3A = vector.broadcast %get3A_38 : vector<1024x1xi32> to vector<1024x64xi32>
    %eq3A_39 = arith.cmpi eq, %eq3A, %iota3A_35 : vector<1024x64xi32>
    %and3A = vector.broadcast %lt3A_34 : vector<1024x1xi1> to vector<1024x64xi1>
    %and3A_40 = arith.andi %eq3A_39, %and3A : vector<1024x64xi1>
    %jit3A = arith.constant 1.000000e+00 : f32
    %jit3A_41 = arith.constant 0.000000e+00 : f32
    %broadcast_in_dim3A = vector.broadcast %jit3A : f32 to vector<1024x64xf32>
    %broadcast_in_dim3A_42 = vector.broadcast %jit3A_41 : f32 to vector<1024x64xf32>
    %select_n3A = arith.select %and3A_40, %broadcast_in_dim3A, %broadcast_in_dim3A_42 : vector<1024x64xi1>, vector<1024x64xf32>
    %jit3A_43 = arith.constant 0.000000e+00 : f32
    %broadcast_in_dim3A_44 = vector.shape_cast %lt3A_34 : vector<1024x1xi1> to vector<1024x1xi1>
    %broadcast_in_dim3A_45 = vector.broadcast %broadcast_in_dim3A_44 : vector<1024x1xi1> to vector<1024x128xi1>
    %broadcast_in_dim3A_46 = vector.broadcast %jit3A_43 : f32 to vector<1024x128xf32>
    %select_n3A_47 = arith.select %broadcast_in_dim3A_45, %tanh3A, %broadcast_in_dim3A_46 : vector<1024x128xi1>, vector<1024x128xf32>
    %jit3A_48 = arith.constant 1.000000e+00 : f32
    %jit3A_49 = arith.constant 0.000000e+00 : f32
    %broadcast_in_dim3A_50 = vector.broadcast %jit3A_48 : f32 to vector<1024x1xf32>
    %broadcast_in_dim3A_51 = vector.broadcast %jit3A_49 : f32 to vector<1024x1xf32>
    %select_n3A_52 = arith.select %lt3A_34, %broadcast_in_dim3A_50, %broadcast_in_dim3A_51 : vector<1024x1xi1>, vector<1024x1xf32>
    %eq3A_53 = arith.constant 0 : i32
    %eq3A_54 = arith.cmpi eq, %arg0, %eq3A_53 : i32
    %convert_element_type3A = arith.extui %eq3A_54 : i1 to i32
    %cond3A = arith.constant 0 : i32
    %cond3A_55 = arith.cmpi ne, %convert_element_type3A, %cond3A : i32
    scf.if %cond3A_55 {
      %broadcast_in_dim3A_78 = arith.constant 0.000000e+00 : f32
      %broadcast_in_dim3A_79 = vector.broadcast %broadcast_in_dim3A_78 : f32 to vector<64x128xf32>
      %swap3A_80 = arith.constant 0 : index
      %swap3A_81 = arith.constant 0 : index
      %swap3A_82 = vector.load %arg10[%swap3A_80, %swap3A_81] : memref<64x128xf32, #tpu.memory_space<vmem>>, vector<64x128xf32>
      tpu.vector_store %arg10[%swap3A_80, %swap3A_81], %broadcast_in_dim3A_79 {strides = array<i32>} : memref<64x128xf32, #tpu.memory_space<vmem>>, vector<64x128xf32>,
      %broadcast_in_dim3A_83 = arith.constant 0.000000e+00 : f32
      %broadcast_in_dim3A_84 = vector.broadcast %broadcast_in_dim3A_83 : f32 to vector<64x1xf32>
      %swap3A_85 = arith.constant 0 : index
      %swap3A_86 = arith.constant 0 : index
      %swap3A_87 = vector.load %arg11[%swap3A_85, %swap3A_86] : memref<64x1xf32, #tpu.memory_space<vmem>>, vector<64x1xf32>
      tpu.vector_store %arg11[%swap3A_85, %swap3A_86], %broadcast_in_dim3A_84 {strides = array<i32>} : memref<64x1xf32, #tpu.memory_space<vmem>>, vector<64x1xf32>,
    } else {
    }
    %get3A_56 = arith.constant 0 : index
    %get3A_57 = arith.constant 0 : index
    %get3A_58 = vector.load %arg10[%get3A_56, %get3A_57] : memref<64x128xf32, #tpu.memory_space<vmem>>, vector<64x128xf32>
    %dot_general3A = arith.constant dense<0.000000e+00> : vector<64x128xf32>
    %dot_general3A_59 = tpu.matmul %select_n3A, %select_n3A_47, %dot_general3A {dimension_numbers = #tpu.dot_dimension_numbers<[0], [0], [1], [1], [0, 1, 1, 1], [], []>, transpose_lhs_hint = false} : vector<1024x64xf32>, vector<1024x128xf32>, vector<64x128xf32> -> vector<64x128xf32>
    %add3A_60 = arith.addf %get3A_58, %dot_general3A_59 : vector<64x128xf32>
    %swap3A_61 = arith.constant 0 : index
    %swap3A_62 = arith.constant 0 : index
    %swap3A_63 = vector.load %arg10[%swap3A_61, %swap3A_62] : memref<64x128xf32, #tpu.memory_space<vmem>>, vector<64x128xf32>
    tpu.vector_store %arg10[%swap3A_61, %swap3A_62], %add3A_60 {strides = array<i32>} : memref<64x128xf32, #tpu.memory_space<vmem>>, vector<64x128xf32>,
    %get3A_64 = arith.constant 0 : index
    %get3A_65 = arith.constant 0 : index
    %get3A_66 = vector.load %arg11[%get3A_64, %get3A_65] : memref<64x1xf32, #tpu.memory_space<vmem>>, vector<64x1xf32>
    %dot_general3A_67 = arith.constant dense<0.000000e+00> : vector<64x1xf32>
    %dot_general3A_68 = tpu.matmul %select_n3A, %select_n3A_52, %dot_general3A_67 {dimension_numbers = #tpu.dot_dimension_numbers<[0], [0], [1], [1], [0, 1, 1, 1], [], []>, transpose_lhs_hint = false} : vector<1024x64xf32>, vector<1024x1xf32>, vector<64x1xf32> -> vector<64x1xf32>
    %add3A_69 = arith.addf %get3A_66, %dot_general3A_68 : vector<64x1xf32>
    %swap3A_70 = arith.constant 0 : index
    %swap3A_71 = arith.constant 0 : index
    %swap3A_72 = vector.load %arg11[%swap3A_70, %swap3A_71] : memref<64x1xf32, #tpu.memory_space<vmem>>, vector<64x1xf32>
    tpu.vector_store %arg11[%swap3A_70, %swap3A_71], %add3A_69 {strides = array<i32>} : memref<64x1xf32, #tpu.memory_space<vmem>>, vector<64x1xf32>,
    %eq3A_73 = arith.constant 9 : i32
    %eq3A_74 = arith.cmpi eq, %arg0, %eq3A_73 : i32
    %convert_element_type3A_75 = arith.extui %eq3A_74 : i1 to i32
    %cond3A_76 = arith.constant 0 : i32
    %cond3A_77 = arith.cmpi ne, %convert_element_type3A_75, %cond3A_76 : i32
    scf.if %cond3A_77 {
      %get3A_78 = arith.constant 0 : index
      %get3A_79 = arith.constant 0 : index
      %get3A_80 = vector.load %arg11[%get3A_78, %get3A_79] : memref<64x1xf32, #tpu.memory_space<vmem>>, vector<64x1xf32>
      %max3A = arith.constant 1.000000e+00 : f32
      %max3A_81 = vector.broadcast %max3A : f32 to vector<64x1xf32>
      %max3A_82 = arith.maximumf %get3A_80, %max3A_81 : vector<64x1xf32>
      %get3A_83 = arith.constant 0 : index
      %get3A_84 = arith.constant 0 : index
      %get3A_85 = vector.load %arg10[%get3A_83, %get3A_84] : memref<64x128xf32, #tpu.memory_space<vmem>>, vector<64x128xf32>
      %div3A = vector.broadcast %max3A_82 : vector<64x1xf32> to vector<64x128xf32>
      %div3A_86 = arith.divf %get3A_85, %div3A : vector<64x128xf32>
      %get3A_87 = arith.constant 0 : index
      %get3A_88 = arith.constant 0 : index
      %get3A_89 = vector.load %arg6[%get3A_87, %get3A_88] : memref<128x128xf32, #tpu.memory_space<vmem>>, vector<128x128xf32>
      %dot_general3A_90 = arith.constant dense<0.000000e+00> : vector<64x128xf32>
      %dot_general3A_91 = tpu.matmul %div3A_86, %get3A_89, %dot_general3A_90 {dimension_numbers = #tpu.dot_dimension_numbers<[1], [0], [0], [1], [0, 0, 1, 1], [], []>, transpose_lhs_hint = false} : vector<64x128xf32>, vector<128x128xf32>, vector<64x128xf32> -> vector<64x128xf32>
      %get3A_92 = arith.constant 0 : index
      %get3A_93 = arith.constant 0 : index
      %get3A_94 = vector.load %arg7[%get3A_92, %get3A_93] : memref<1x128xf32, #tpu.memory_space<vmem>>, vector<1x128xf32>
      %add3A_95 = vector.broadcast %get3A_94 : vector<1x128xf32> to vector<64x128xf32>
      %add3A_96 = arith.addf %dot_general3A_91, %add3A_95 : vector<64x128xf32>
      %tanh3A_97 = math.tanh %add3A_96 : vector<64x128xf32>
      %swap3A_98 = arith.constant 0 : index
      %swap3A_99 = arith.constant 0 : index
      %swap3A_100 = vector.load %arg8[%swap3A_98, %swap3A_99] : memref<64x128xf32, #tpu.memory_space<vmem>>, vector<64x128xf32>
      tpu.vector_store %arg8[%swap3A_98, %swap3A_99], %tanh3A_97 {strides = array<i32>} : memref<64x128xf32, #tpu.memory_space<vmem>>, vector<64x128xf32>,
    } else {
    }
    return
  }
  func.func @transform_0(%arg0: i32) -> (i32, i32, i32) {
    %c0_i32 = arith.constant 0 : i32
    %c0_i32_0 = arith.constant 0 : i32
    %c0_i32_1 = arith.constant 0 : i32
    return %c0_i32, %arg0, %c0_i32_0 : i32, i32, i32
  }
  func.func @transform_1(%arg0: i32) -> (i32, i32) {
    %c0_i32 = arith.constant 0 : i32
    %c0_i32_0 = arith.constant 0 : i32
    return %arg0, %c0_i32 : i32, i32
  }
  func.func @transform_2(%arg0: i32) -> (i32, i32) {
    %c0_i32 = arith.constant 0 : i32
    %c0_i32_0 = arith.constant 0 : i32
    return %arg0, %c0_i32 : i32, i32
  }
  func.func @transform_3(%arg0: i32) -> (i32, i32) {
    %c0_i32 = arith.constant 0 : i32
    %c0_i32_0 = arith.constant 0 : i32
    return %arg0, %c0_i32 : i32, i32
  }
  func.func @transform_4(%arg0: i32) -> (i32, i32) {
    %c0_i32 = arith.constant 0 : i32
    %c0_i32_0 = arith.constant 0 : i32
    return %arg0, %c0_i32 : i32, i32
  }
  func.func @transform_5(%arg0: i32) -> (i32, i32) {
    %c0_i32 = arith.constant 0 : i32
    %c0_i32_0 = arith.constant 0 : i32
    %c0_i32_1 = arith.constant 0 : i32
    return %c0_i32, %c0_i32_0 : i32, i32
  }
  func.func @transform_6(%arg0: i32) -> (i32, i32) {
    %c0_i32 = arith.constant 0 : i32
    %c0_i32_0 = arith.constant 0 : i32
    %c0_i32_1 = arith.constant 0 : i32
    return %c0_i32, %c0_i32_0 : i32, i32
  }
  func.func @transform_7(%arg0: i32) -> (i32, i32) {
    %c0_i32 = arith.constant 0 : i32
    %c0_i32_0 = arith.constant 0 : i32
    %c0_i32_1 = arith.constant 0 : i32
    return %c0_i32, %c0_i32_0 : i32, i32
  }
  func.func @transform_8(%arg0: i32) -> (i32, i32) {
    %c0_i32 = arith.constant 0 : i32
    %c0_i32_0 = arith.constant 0 : i32
    return %arg0, %c0_i32 : i32, i32
  }
}

</mosaic_0001>

<sc_bundles>
// kernel: kernel.6.cloned.1.call-start
scs
__scs_entry_jumppad:
0x0: {  	(pc) =	sbr.rel $0x88, $3  }
0x1: {  	(tag) =	ssettag $0x0;
	lr =	simm.s32 $0x1  }
0x2: {  	[smem:$0x3F99] =	sst lr;
	_ =	strace $0xD0000000  }
0x3: {  	_ = 	snop  }
0x4: {  	_ = 	snop  }
0x5: {  	_ = 	snop  }
0x6: {  	_ = 	snop  }
0x7: {  	_ = 	snop  }
__scs_overlays_trampoline_lowered:
0x8: {  	[smem:$0x3FA8] =	sst s0  }
0x9: {  	[smem:$0x3FA9] =	sst s1  }
0xa: {  	[smem:$0x3FAA] =	sst s2  }
0xb: {  	[smem:$0x3FAB] =	sst s3  }
0xc: {  	[smem:$0x3FAC] =	sst s4  }
0xd: {  	[smem:$0x3FAD] =	sst s5  }
0xe: {  	[smem:$0x3FAE] =	sst s6  }
0xf: {  	[smem:$0x3FAF] =	sst s7  }
0x10: {  	[smem:$0x3FB0] =	sst s8  }
0x11: {  	[smem:$0x3FB1] =	sst s9;
	s0 =	simm.s32 @!p0 $0x0  }
0x12: {  	s1 =	sld [smem:$0x3F97];
	s0 =	simm.s32 @p0 $0x1  }
0x13: {  	[smem:$0x3FB2] =	sst s0;
	s0 =	simm.s32 @!p1 $0x0  }
0x14: {  	s2 =	sld [smem:$0x3F96];
	s0 =	simm.s32 @p1 $0x1  }
0x15: {  	[smem:$0x3FB3] =	sst s0;
	s0 =	simm.s32 @!p2 $0x0  }
0x16: {  	s3 =	sld [smem:$0x3FDB];
	s0 =	simm.s32 @p2 $0x1  }
0x17: {  	s4 =	simm.s32 $0x1BF5;
	[smem:$0x3FB5] =	sst s0  }
0x18: {  	s0 =	sld [smem:$0x3F98];
	_ =	swait.ge [sflag:s4], $0x0  }
0x19: {  	s7 =	sld [smem:$0x3F99]  }
0x1a: {  	s8 =	sadd.s32 $0xFFFFE003, lr  }
0x1b: {  	s9 =	sadd.s32 $0xFFFFFEF7, lr;
	s5 =	simm.s32 $0xFFFFFFFF;
	p2 =	slt.u32 s8, $0xFFFFF086  }
0x1c: {  	p1 =	slt.u32 s9, $0xF7A;
	s5 =	simm.s32 @!p2 $0x0  }
0x1d: {  	s5 =	simm.s32 @p1 $0x1;
	p0 =	seq.s32 s7, s2  }
0x1e: {  	s7 =	smul.u32 @!p0 $0xF7A, s2;
	p2 =	seq.s32 @!p0 s5, $0x0  }
0x1f: {  	s9 =	smul.u32 $0xF7A, s1;
	s8 =	simm.s32 @!p0 $0x1BF5;
	p2 =	por !p2, p0  }
0x20: {  	[sflag:s8] =	ssyncset.s32 @!p0 $0xFFFFF086;
	s6 =	sadd.s32 @!p0 s3, s7;
	s7 =	simm.s32 @!p0 $0x108  }
0x21: {  	s3 =	sadd.s32 s3, s9;
	s6 =	sadd.s32 @!p0 $0x88, s6;
	s7 =	simm.s32 @p2 $0x1082  }
0x22: {  	[simem:s7], [sflag:s8] =	dma.local @!p0 [hbm:s6], $0xF7A  }
0x23: {  	s9 =	sor.u32 $0xD0000000, s2;
	s6 =	simm.s32 $0x108;
	_ =	swait.ge @!p0 [sflag:s8], $0x0  }
0x24: {  	s3 =	sadd.s32 $0x88, s3;
	s6 =	simm.s32 @!p1 $0x1082;
	[sflag:s4] =	ssyncset.s32 $0xFFFFF086  }
0x25: {  	[simem:s6], [sflag:s4] =	dma.local [hbm:s3], $0xF7A  }
0x26: {  	[smem:$0x3F99] =	sst s1;
	(tag) =	ssettag s2;
	_ =	strace s9  }
0x27: {  	s1 =	sld [smem:$0x3FA9]  }
0x28: {  	s2 =	sld [smem:$0x3FAA]  }
0x29: {  	s4 =	sld [smem:$0x3FAC]  }
0x2a: {  	p0 =	seq.s32 s5, $0x0;
	s5 =	sld [smem:$0x3FAD]  }
0x2b: {  	s6 =	sld [smem:$0x3FAE]  }
0x2c: {  	s7 =	sld [smem:$0x3FAF]  }
0x2d: {  	s3 =	simm.s32 $0x108;
	s8 =	sld [smem:$0x3FB0]  }
0x2e: {  	s3 =	simm.s32 @!p0 $0x1082;
	s9 =	sld [smem:$0x3FB1]  }
0x2f: {  	lr =	sadd.s32 s0, s3;
	s0 =	sld [smem:$0x3FA8]  }
0x30: {  	s3 =	sld [smem:$0x3FAB]  }
0x31: {  	[smem:$0x3FB4] =	sst s10  }
0x32: {  	s10 =	sld [smem:$0x3FB2];
	_ =	sdelay $0x3  }
0x33: {  	p0 =	seq.s32 s10, $0x1;
	s10 =	sld [smem:$0x3FB4];
	_ =	sdelay $0x3  }
0x34: {  	[smem:$0x3FB4] =	sst s10  }
0x35: {  	s10 =	sld [smem:$0x3FB3];
	_ =	sdelay $0x3  }
0x36: {  	p1 =	seq.s32 s10, $0x1;
	s10 =	sld [smem:$0x3FB4];
	_ =	sdelay $0x3  }
0x37: {  	[smem:$0x3FB4] =	sst s10  }
0x38: {  	s10 =	sld [smem:$0x3FB5]  }
0x39: {  	_ = 	snop;
	(pc) =	sbr.ind lr, $3  }
0x3a: {  	_ = 	snop  }
0x3b: {  	_ = 	snop  }
0x3c: {  	p2 =	seq.s32 s10, $0x1;
	s10 =	sld [smem:$0x3FB4]  }
0x3d: {  	_ =	shalt  }
0x3e: {  	_ =	shalt  }
0x3f: {  	_ =	shalt  }
0x40: {  	_ =	shalt  }
0x41: {  	_ =	shalt  }
0x42: {  	_ =	shalt  }
0x43: {  	_ =	shalt  }
0x44: {  	_ =	shalt  }
0x45: {  	_ =	shalt  }
0x46: {  	_ =	shalt  }
0x47: {  	_ =	shalt  }
0x48: {  	_ =	shalt  }
0x49: {  	_ =	shalt  }
0x4a: {  	_ =	shalt  }
0x4b: {  	_ =	shalt  }
0x4c: {  	_ =	shalt  }
0x4d: {  	_ =	shalt  }
0x4e: {  	_ =	shalt  }
0x4f: {  	_ =	shalt  }
0x50: {  	_ =	shalt  }
0x51: {  	_ =	shalt  }
0x52: {  	_ =	shalt  }
0x53: {  	_ =	shalt  }
0x54: {  	_ =	shalt  }
0x55: {  	_ =	shalt  }
0x56: {  	_ =	shalt  }
0x57: {  	_ =	shalt  }
0x58: {  	_ =	shalt  }
0x59: {  	_ =	shalt  }
0x5a: {  	_ =	shalt  }
0x5b: {  	_ =	shalt  }
0x5c: {  	_ =	shalt  }
0x5d: {  	_ =	shalt  }
0x5e: {  	_ =	shalt  }
0x5f: {  	_ =	shalt  }
0x60: {  	_ =	shalt  }
0x61: {  	_ =	shalt  }
0x62: {  	_ =	shalt  }
0x63: {  	_ =	shalt  }
0x64: {  	_ =	shalt  }
0x65: {  	_ =	shalt  }
0x66: {  	_ =	shalt  }
0x67: {  	_ =	shalt  }
0x68: {  	_ =	shalt  }
0x69: {  	_ =	shalt  }
0x6a: {  	_ =	shalt  }
0x6b: {  	_ =	shalt  }
0x6c: {  	_ =	shalt  }
0x6d: {  	_ =	shalt  }
0x6e: {  	_ =	shalt  }
0x6f: {  	_ =	shalt  }
0x70: {  	_ =	shalt  }
0x71: {  	_ =	shalt  }
0x72: {  	_ =	shalt  }
0x73: {  	_ =	shalt  }
0x74: {  	_ =	shalt  }
0x75: {  	_ =	shalt  }
0x76: {  	_ =	shalt  }
0x77: {  	_ =	shalt  }
0x78: {  	_ =	shalt  }
0x79: {  	_ =	shalt  }
0x7a: {  	_ =	shalt  }
0x7b: {  	_ =	shalt  }
0x7c: {  	_ =	shalt  }
0x7d: {  	_ =	shalt  }
0x7e: {  	_ =	shalt  }
0x7f: {  	_ =	shalt  }
0x80: {  	_ =	shalt  }
0x81: {  	_ =	shalt  }
0x82: {  	_ =	shalt  }
0x83: {  	_ =	shalt  }
0x84: {  	_ =	shalt  }
0x85: {  	_ =	shalt  }
0x86: {  	_ =	shalt  }
0x87: {  	_ =	shalt  }
.Lfunc_end0:
.L_simem_size_0:
called_computation_lowered:
.L_overlay_start_0:
0x88: {  	s2 =	sld [smem:$0x3FD9]  }
0x89: {  	s3 =	sld [smem:$0x3FFE];
	_ =	sdelay $0x1  }
0x8a: {  	s1 =	srdreg.scid  }
0x8b: {  	s0 =	sand.u32 $0x1, s1  }
0x8c: {  	s14 =	sshll.u32 s0, $0xA;
	s2 =	sadd.s32 s3, s2  }
0x8d: {  	s2 =	sadd.s32 s2, s14  }
0x8e: {  	[smem:$0x3FC0] =	sst s2  }
0x8f: {  	_ = 	snop  }
0x90: {  	s2 =	sld [smem:$0x3FD0];
	_ =	sdelay $0x2  }
0x91: {  	s4 =	simm.s32 $0xA;
	s5 =	simm.s32 $0x10;
	s15 =	sld [smem:$0x3FC7]  }
0x92: {  	[smem:s5], [sflag:s4] =	dma.local [hbm:s2], $0x1  }
0x93: {  	_ =	swait.eq [sflag:s4], $0x1  }
0x94: {  	[sflag:s4] =	ssyncset.done $0x0  }
0x95: {  	[sflag:s4] =	ssyncadd.s32 $0xFFFFFFFF  }
0x96: {  	s16 =	sld [smem:$0x11];
	(tm) =	ssettm $0x1  }
0x97: {  	s17 =	sld [smem:$0x3FFB];
	_ =	sdelay $0x3  }
0x98: {  	_ =	strace s17  }
0x99: {  	s4 =	sld [smem:$0x3FFC];
	_ =	sdelay $0x3  }
0x9a: {  	_ =	strace s4  }
0x9b: {  	s4 =	sld [smem:$0x3FFD];
	_ =	sdelay $0x3  }
0x9c: {  	_ =	strace s4  }
0x9d: {  	_ =	strace $0x8FFFFFFF  }
0x9e: {  	s18 =	sld [smem:$0x3FDB];
	_ =	sdelay $0x1  }
0x9f: {  	s19 =	simm.s32 $_scs_section_size  }
0xa0: {  	s6 =	simm.s32 $_size__tile_overlayer_lowered;
	s7 =	simm.s32 $_tile_overlayer_lowered  }
0xa1: {  	s22 =	simm.s32 $0x1BFF;
	s21 =	sshll.u32 s7, $0x1;
	s4 =	sadd.s32 s19, s18  }
0xa2: {  	s8 =	simm.s32 $0x0;
	s20 =	sshll.u32 s6, $0x1;
	s6 =	sadd.s32 s21, s4  }
0xa3: {  	[timem:s8], [sflag:s22] =	dma.local [hbm:s6], s20  }
0xa4: {  	_ =	swait.ge [sflag:s22], s20  }
0xa5: {  	s5 =	ssub.s32 $0x0, s20;
	[sflag:s22] =	ssyncset.done $0x0  }
0xa6: {  	[sflag:s22] =	ssyncadd.s32 s5;
	_ =	sdelay $0x1  }
0xa7: {  	s23 =	simm.s32 $0x1B8B  }
0xa8: {  	_ =	swait.ge [sflag:s23], $0x1  }
0xa9: {  	[sflag:s23] =	ssyncset.done $0x0  }
0xaa: {  	s25 =	simm.s32 $0x1B8E;
	s24 =	sld [smem:$0x3FFE];
	[sflag:s23] =	ssyncadd.s32 $0xFFFFFFFF  }
0xab: {  	s26 =	simm.s32 $execute0_lowered;
	[smem:$0x3FD2] =	sst s25  }
0xac: {  	s6 =	sshll.u32 s26, $0x1;
	_ =	strace $0x80000046;
	[dreg:$0x1] =	wrdreg $0xFFFFFFFF  }
0xad: {  	s28 =	simm.s32 $_size_execute0_lowered;
	s4 =	sadd.s32 s4, s6;
	[dreg:$0x0] =	wrdreg $0x0  }
0xae: {  	s6 =	sshll.u32 s28, $0x1;
	[dreg:$0x2] =	wrdreg s4  }
0xaf: {  	[dreg:$0x3] =	wrdreg s6  }
0xb0: {  	[dreg:$0x4] =	wrdreg $0xC0  }
0xb1: {  	_ =	task [dreg:s8], $0x5FFFF  }
0xb2: {  	[dreg:$0x1] =	wrdreg $0xFFFFFFFF  }
0xb3: {  	[dreg:$0x0] =	wrdreg $0x60  }
0xb4: {  	[dreg:$0x2] =	wrdreg s24  }
0xb5: {  	[dreg:$0x3] =	wrdreg s15  }
0xb6: {  	[dreg:$0x4] =	wrdreg s16  }
0xb7: {  	[dreg:$0x5] =	wrdreg $0x50A00  }
0xb8: {  	[dreg:$0x6] =	wrdreg $0x9  }
0xb9: {  	_ =	task.clear_ibuf [dreg:s8], $0x7FFFF;
	_ =	strace $0x90000046  }
0xba: {  	s29 =	simm.s32 $0x9;
	_ =	strace $0x80000048  }
0xbb: {  	_ =	swait.ge [sflag:s29], $0x1  }
0xbc: {  	[sflag:s29] =	ssyncadd.s32 $0xFFFFFFFF  }
0xbd: {  	_ =	strace $0x90000048  }
0xbe: {  	_ =	sfence  }
0xbf: {  	s30 =	sld [smem:$0x0];
	_ =	sdelay $0x2  }
0xc0: {  	s31 =	sshll.u32 s1, $0xD;
	s1 =	sshrl.u32 s1, $0x2  }
0xc1: {  	s3 =	sand.u32 $0x4000, s31;
	s1 =	sadd.s32 s1, s30  }
0xc2: {  	s0 =	sor.u32 s3, s0;
	s1 =	sshll.u32 s1, $0x11  }
0xc3: {  	s0 =	sor.u32 s1, s0  }
0xc4: {  	s0 =	sadd.s32 $0x8F2B, s0  }
0xc5: {  	[sflag:s0] =	ssyncadd.remote.s32 $0x1  }
0xc6: {  	_ =	sfence.sel $0xFFFF  }
0xc7: {  	[dreg:$0x0] =	wrdreg $0xFFFFFFFF;
	(pc) =	sbr.abs _section_cstart, $3  }
0xc8: {  	[dreg:$0x1] =	wrdreg $0xFFFFFFFF  }
0xc9: {  	_ =	task.clear_ibuf [dreg:s8], $0x2FFFF;
	_ =	strace $0x9FFFFFFF  }
0xca: {  	(tm) =	ssettm $0x7FFFFFFF  }
0xcb: {  	_ =	shalt  }
tec
execute0_lowered:
.L_overlay_start_1:
0x0: {  	(tag) =	ssettag $0x1  }
0x1: {  	s4 =	rddreg [dreg:$0x0]  }
0x2: {  	s6 =	rddreg [dreg:$0x1]  }
0x3: {  	s7 =	rddreg [dreg:$0x2]  }
0x4: {  	s0 =	srdreg.scid;
	s2 =	rddreg [dreg:$0x3]  }
0x5: {  	s3 =	simm.s32 $0x0;
	s5 =	sand.u32 $0x1, s0;
	s0 =	stileid.u32  }
0x6: {  	s15 =	simm.s32 $0x0;
	[smem:$0x7FF] =	sst s3;
	s9 =	smul.u32 $0x280, s0  }
0x7: {  	s1 =	sshll.u32 s5, $0x4;
	s10 =	smul.u32 $0x2800, s5;
	s5 =	ssub.s32 $0x2, s5  }
0x8: {  	s13 =	sshll.u32 s0, $0x6;
	s1 =	sor.u32 s0, s1;
	s30 =	sshrl.u32 s5, $0x1  }
0x9: {  	s13 =	sor.u32 $0x1C01, s13;
	s8 =	smul.u32 $0x4E2, s1;
	s1 =	rddreg [dreg:$0x4]  }
0xa: {  	_ =	strace $0x80000047;
	s10 =	sadd.s32 s9, s10;
	s12 =	ssub.s32 s5, s30  }
0xb: {  	s31 =	sshrl.u32 s10, $0x3;
	s10 =	simm.s32 $0x1;
	s11 =	sadd.s32 s8, s4  }
0xc: {  	s4 =	sadd.s32 s9, s2;
	s6 =	sadd.s32 s6, s8;
	s7 =	sadd.s32 s7, s31  }
0xd: {  	s8 =	smax.u32 s12, $0x1;
	s9 =	simm.s32 $0x4E20;
	s12 =	simm.s32 $0x50  }
0xe: {  	v0 =	vimm.f32 $0.0e+00;
	s5 =	sadd.s32 $0x2000, s11;
	s11 =	simm.s32 $0x2710;
	s14 =	sshrl.u32 s4, $0x3  }
.LBB2_1:
0xf: {  	[tilespmem:$0x4E20] =	vst v0  }
0x10: {  	[tilespmem:$0x4E30] =	vst v0  }
0x11: {  	[tilespmem:$0x4E40] =	vst v0  }
0x12: {  	[tilespmem:$0x4E50] =	vst v0  }
0x13: {  	[tilespmem:$0x4E60] =	vst v0  }
0x14: {  	[tilespmem:$0x4E70] =	vst v0  }
0x15: {  	[tilespmem:$0x4E80] =	vst v0  }
0x16: {  	[tilespmem:$0x4E90] =	vst v0  }
0x17: {  	[tilespmem:$0x4EA0] =	vst v0  }
0x18: {  	[tilespmem:$0x4EB0] =	vst v0  }
0x19: {  	[tilespmem:$0x4EC0] =	vst v0  }
0x1a: {  	[tilespmem:$0x4ED0] =	vst v0  }
0x1b: {  	[tilespmem:$0x4EE0] =	vst v0  }
0x1c: {  	[tilespmem:$0x4EF0] =	vst v0  }
0x1d: {  	[tilespmem:$0x4F00] =	vst v0  }
0x1e: {  	[tilespmem:$0x4F10] =	vst v0  }
0x1f: {  	[tilespmem:$0x4F20] =	vst v0  }
0x20: {  	[tilespmem:$0x4F30] =	vst v0  }
0x21: {  	[tilespmem:$0x4F40] =	vst v0  }
0x22: {  	[tilespmem:$0x4F50] =	vst v0  }
0x23: {  	[tilespmem:$0x4F60] =	vst v0  }
0x24: {  	[tilespmem:$0x4F70] =	vst v0  }
0x25: {  	[tilespmem:$0x4F80] =	vst v0  }
0x26: {  	[tilespmem:$0x4F90] =	vst v0  }
0x27: {  	[tilespmem:$0x4FA0] =	vst v0  }
0x28: {  	[tilespmem:$0x4FB0] =	vst v0  }
0x29: {  	[tilespmem:$0x4FC0] =	vst v0  }
0x2a: {  	[tilespmem:$0x4FD0] =	vst v0  }
0x2b: {  	[tilespmem:$0x4FE0] =	vst v0  }
0x2c: {  	[tilespmem:$0x4FF0] =	vst v0  }
0x2d: {  	[tilespmem:$0x5000] =	vst v0  }
0x2e: {  	[tilespmem:$0x5010] =	vst v0  }
0x2f: {  	[tilespmem:$0x5020] =	vst v0  }
0x30: {  	[tilespmem:$0x5030] =	vst v0  }
0x31: {  	[tilespmem:$0x5040] =	vst v0  }
0x32: {  	[tilespmem:$0x5050] =	vst v0  }
0x33: {  	[tilespmem:$0x5060] =	vst v0  }
0x34: {  	[tilespmem:$0x5070] =	vst v0  }
0x35: {  	[tilespmem:$0x5080] =	vst v0  }
0x36: {  	[tilespmem:$0x5090] =	vst v0  }
0x37: {  	[spmem:s4] =	stream.linear.scatter [tilespmem:s9], [sflag:$0x1], $0x280, $0x38;
	[tilespmem:$0x5320] =	vst v63  }
0x38: {  	_ =	swait.ge [sflag:s10], $0x280  }
0x39: {  	[sflag:s10] =	ssyncset.done $0x0  }
0x3a: {  	[sflag:s10] =	ssyncadd.s32 $0xFFFFFD80  }
0x3b: {  	[bflag:$0x0] =	sbarrier.arrive $0xFFFF  }
0x3c: {  	[tilespmem:s3], [sflag:$0x1] =	stream.linear.gather [hbm4b:s5+s3], $0x2710, $0x38;
	[tilespmem:$0x5320] =	vst v63  }
0x3d: {  	_ =	swait.ge [sflag:s10], $0x2710  }
0x3e: {  	[sflag:s10] =	ssyncset.done $0x0  }
0x3f: {  	[sflag:s10] =	ssyncadd.s32 $0xFFFFD8F0  }
0x40: {  	[tilespmem:s11], [sflag:$0x1] =	stream.linear.gather [hbm4b:s6+s3], $0x2710, $0x38;
	[tilespmem:$0x5320] =	vst v63  }
0x41: {  	_ =	swait.ge [sflag:s10], $0x2710  }
0x42: {  	[sflag:s10] =	ssyncset.done $0x0  }
0x43: {  	s16 =	simm.s32 $0x0;
	s17 =	simm.s32 $0x2710;
	[sflag:s10] =	ssyncadd.s32 $0xFFFFD8F0  }
0x44: {  	[spmem:s2] =	stream.indirect.scatter.add.f32 [tilespmem:s17], [sflag:$0x1], $0x1, s16, s12, $0xb8;
	[tilespmem:$0x5320] =	vst v63  }
0x45: {  	s16 =	simm.s32 $0x140;
	_ =	swait.ge [sflag:s10], $0x50  }
.LBB2_2:
0x46: {  	s17 =	sshra.s32 s16, $0x2;
	[sflag:s10] =	ssyncset.done $0x0;
	p0 =	sne.s32 s16, $0x9B00  }
.Ltmp0:
0x47: {  	s18 =	sadd.s32 $0x2710, s17;
	[sflag:s10] =	ssyncadd.s32 $0xFFFFFFB0;
	(pc) =	sbr.rel @p0 .LBB2_2-.Ltmp0, $3  }
0x48: {  	[spmem:s2] =	stream.indirect.scatter.add.f32 [tilespmem:s18], [sflag:$0x1], $0x1, s17, s12, $0xb8;
	[tilespmem:$0x5320] =	vst v63  }
0x49: {  	s16 =	sadd.s32 $0x140, s16;
	_ =	sdelay $0x1  }
0x4a: {  	_ =	swait.ge [sflag:s10], $0x50  }
0x4b: {  	[sflag:s10] =	ssyncset.done $0x0;
	s15 =	sadd.s32 $0x1, s15  }
0x4c: {  	[sflag:s10] =	ssyncadd.s32 $0xFFFFFFB0;
	p0 =	sne.s32 s15, s8  }
.Ltmp1:
0x4d: {  	[bflag:$0x0] =	sbarrier.arrive $0xFFFF;
	(pc) =	sbr.rel @p0 .LBB2_1-.Ltmp1, $4  }
0x4e: {  	[hbm:s7], [sflag:s13] =	dma.local [spmem:s14], $0x50  }
0x4f: {  	_ =	swait.ge [sflag:s10], $0x50  }
0x50: {  	[sflag:s10] =	ssyncset.done $0x0  }
0x51: {  	[sflag:s10] =	ssyncadd.s32 $0xFFFFFFB0  }
0x52: {  	_ =	sfence.sel $0x180000  }
0x53: {  	[bflag:$0x0] =	sbarrier.arrive $0xFFFF  }
0x54: {  	p0 =	sne.s32 s0, $0x0;
	_ =	strace $0x90000047  }
0x55: {  	s0 =	sadd.s32 @!p0 $0x100000, s1;
	[bflag:$0x2] =	sbarrier.arrive $0xFFFF  }
0x56: {  	[sflag:s0] =	ssyncadd.tile.s32 @!p0 $0x1;
	_ =	shalt  }
.Lfunc_end2:
_tile_overlayer_lowered:
.L_overlay_start_2:
0x57: {  	(tag) =	ssettag $0x2  }
0x58: {  	s0 =	rddreg [dreg:$0x0];
	s2 =	stileid.u32  }
0x59: {  	s1 =	rddreg [dreg:$0x1];
	p0 =	sne.s32 s2, $0x0  }
0x5a: {  	s3 =	rddreg [dreg:$0x2];
	[bflag:$0x3] =	sbarrier.arrive $0xFFFF;
	s2 =	simm.s32 @!p0 $0x1C01  }
0x5b: {  	[timem:s3], [sflag:s2] =	dma.local @!p0 [hbm:s0], s1  }
0x5c: {  	s0 =	simm.s32 @!p0 $0x1  }
0x5d: {  	_ =	swait.ge @!p0 [sflag:s0], s1  }
0x5e: {  	s1 =	ssub.s32 @!p0 $0x0, s1;
	[sflag:s0] =	ssyncset.done @!p0 $0x0  }
0x5f: {  	[sflag:s0] =	ssyncadd.s32 @!p0 s1  }
0x60: {  	[bflag:$0x3] =	sbarrier.arrive $0xFFFF  }
0x61: {  	_ =	shalt  }

// kernel: kernel.9.cloned.1.call-start
scs
__scs_entry_jumppad:
0x0: {  	(pc) =	sbr.rel $0x88, $3  }
0x1: {  	(tag) =	ssettag $0x0;
	lr =	simm.s32 $0x1  }
0x2: {  	[smem:$0x3F99] =	sst lr;
	_ =	strace $0xD0000000  }
0x3: {  	_ = 	snop  }
0x4: {  	_ = 	snop  }
0x5: {  	_ = 	snop  }
0x6: {  	_ = 	snop  }
0x7: {  	_ = 	snop  }
__scs_overlays_trampoline_lowered:
0x8: {  	[smem:$0x3FA8] =	sst s0  }
0x9: {  	[smem:$0x3FA9] =	sst s1  }
0xa: {  	[smem:$0x3FAA] =	sst s2  }
0xb: {  	[smem:$0x3FAB] =	sst s3  }
0xc: {  	[smem:$0x3FAC] =	sst s4  }
0xd: {  	[smem:$0x3FAD] =	sst s5  }
0xe: {  	[smem:$0x3FAE] =	sst s6  }
0xf: {  	[smem:$0x3FAF] =	sst s7  }
0x10: {  	[smem:$0x3FB0] =	sst s8  }
0x11: {  	[smem:$0x3FB1] =	sst s9;
	s0 =	simm.s32 @!p0 $0x0  }
0x12: {  	s1 =	sld [smem:$0x3F97];
	s0 =	simm.s32 @p0 $0x1  }
0x13: {  	[smem:$0x3FB2] =	sst s0;
	s0 =	simm.s32 @!p1 $0x0  }
0x14: {  	s2 =	sld [smem:$0x3F96];
	s0 =	simm.s32 @p1 $0x1  }
0x15: {  	[smem:$0x3FB3] =	sst s0;
	s0 =	simm.s32 @!p2 $0x0  }
0x16: {  	s3 =	sld [smem:$0x3FDB];
	s0 =	simm.s32 @p2 $0x1  }
0x17: {  	s4 =	simm.s32 $0x1BF5;
	[smem:$0x3FB5] =	sst s0  }
0x18: {  	s0 =	sld [smem:$0x3F98];
	_ =	swait.ge [sflag:s4], $0x0  }
0x19: {  	s7 =	sld [smem:$0x3F99]  }
0x1a: {  	s8 =	sadd.s32 $0xFFFFE003, lr  }
0x1b: {  	s9 =	sadd.s32 $0xFFFFFEF7, lr;
	s5 =	simm.s32 $0xFFFFFFFF;
	p2 =	slt.u32 s8, $0xFFFFF086  }
0x1c: {  	p1 =	slt.u32 s9, $0xF7A;
	s5 =	simm.s32 @!p2 $0x0  }
0x1d: {  	s5 =	simm.s32 @p1 $0x1;
	p0 =	seq.s32 s7, s2  }
0x1e: {  	s7 =	smul.u32 @!p0 $0xF7A, s2;
	p2 =	seq.s32 @!p0 s5, $0x0  }
0x1f: {  	s9 =	smul.u32 $0xF7A, s1;
	s8 =	simm.s32 @!p0 $0x1BF5;
	p2 =	por !p2, p0  }
0x20: {  	[sflag:s8] =	ssyncset.s32 @!p0 $0xFFFFF086;
	s6 =	sadd.s32 @!p0 s3, s7;
	s7 =	simm.s32 @!p0 $0x108  }
0x21: {  	s3 =	sadd.s32 s3, s9;
	s6 =	sadd.s32 @!p0 $0x88, s6;
	s7 =	simm.s32 @p2 $0x1082  }
0x22: {  	[simem:s7], [sflag:s8] =	dma.local @!p0 [hbm:s6], $0xF7A  }
0x23: {  	s9 =	sor.u32 $0xD0000000, s2;
	s6 =	simm.s32 $0x108;
	_ =	swait.ge @!p0 [sflag:s8], $0x0  }
0x24: {  	s3 =	sadd.s32 $0x88, s3;
	s6 =	simm.s32 @!p1 $0x1082;
	[sflag:s4] =	ssyncset.s32 $0xFFFFF086  }
0x25: {  	[simem:s6], [sflag:s4] =	dma.local [hbm:s3], $0xF7A  }
0x26: {  	[smem:$0x3F99] =	sst s1;
	(tag) =	ssettag s2;
	_ =	strace s9  }
0x27: {  	s1 =	sld [smem:$0x3FA9]  }
0x28: {  	s2 =	sld [smem:$0x3FAA]  }
0x29: {  	s4 =	sld [smem:$0x3FAC]  }
0x2a: {  	p0 =	seq.s32 s5, $0x0;
	s5 =	sld [smem:$0x3FAD]  }
0x2b: {  	s6 =	sld [smem:$0x3FAE]  }
0x2c: {  	s7 =	sld [smem:$0x3FAF]  }
0x2d: {  	s3 =	simm.s32 $0x108;
	s8 =	sld [smem:$0x3FB0]  }
0x2e: {  	s3 =	simm.s32 @!p0 $0x1082;
	s9 =	sld [smem:$0x3FB1]  }
0x2f: {  	lr =	sadd.s32 s0, s3;
	s0 =	sld [smem:$0x3FA8]  }
0x30: {  	s3 =	sld [smem:$0x3FAB]  }
0x31: {  	[smem:$0x3FB4] =	sst s10  }
0x32: {  	s10 =	sld [smem:$0x3FB2];
	_ =	sdelay $0x3  }
0x33: {  	p0 =	seq.s32 s10, $0x1;
	s10 =	sld [smem:$0x3FB4];
	_ =	sdelay $0x3  }
0x34: {  	[smem:$0x3FB4] =	sst s10  }
0x35: {  	s10 =	sld [smem:$0x3FB3];
	_ =	sdelay $0x3  }
0x36: {  	p1 =	seq.s32 s10, $0x1;
	s10 =	sld [smem:$0x3FB4];
	_ =	sdelay $0x3  }
0x37: {  	[smem:$0x3FB4] =	sst s10  }
0x38: {  	s10 =	sld [smem:$0x3FB5]  }
0x39: {  	_ = 	snop;
	(pc) =	sbr.ind lr, $3  }
0x3a: {  	_ = 	snop  }
0x3b: {  	_ = 	snop  }
0x3c: {  	p2 =	seq.s32 s10, $0x1;
	s10 =	sld [smem:$0x3FB4]  }
0x3d: {  	_ =	shalt  }
0x3e: {  	_ =	shalt  }
0x3f: {  	_ =	shalt  }
0x40: {  	_ =	shalt  }
0x41: {  	_ =	shalt  }
0x42: {  	_ =	shalt  }
0x43: {  	_ =	shalt  }
0x44: {  	_ =	shalt  }
0x45: {  	_ =	shalt  }
0x46: {  	_ =	shalt  }
0x47: {  	_ =	shalt  }
0x48: {  	_ =	shalt  }
0x49: {  	_ =	shalt  }
0x4a: {  	_ =	shalt  }
0x4b: {  	_ =	shalt  }
0x4c: {  	_ =	shalt  }
0x4d: {  	_ =	shalt  }
0x4e: {  	_ =	shalt  }
0x4f: {  	_ =	shalt  }
0x50: {  	_ =	shalt  }
0x51: {  	_ =	shalt  }
0x52: {  	_ =	shalt  }
0x53: {  	_ =	shalt  }
0x54: {  	_ =	shalt  }
0x55: {  	_ =	shalt  }
0x56: {  	_ =	shalt  }
0x57: {  	_ =	shalt  }
0x58: {  	_ =	shalt  }
0x59: {  	_ =	shalt  }
0x5a: {  	_ =	shalt  }
0x5b: {  	_ =	shalt  }
0x5c: {  	_ =	shalt  }
0x5d: {  	_ =	shalt  }
0x5e: {  	_ =	shalt  }
0x5f: {  	_ =	shalt  }
0x60: {  	_ =	shalt  }
0x61: {  	_ =	shalt  }
0x62: {  	_ =	shalt  }
0x63: {  	_ =	shalt  }
0x64: {  	_ =	shalt  }
0x65: {  	_ =	shalt  }
0x66: {  	_ =	shalt  }
0x67: {  	_ =	shalt  }
0x68: {  	_ =	shalt  }
0x69: {  	_ =	shalt  }
0x6a: {  	_ =	shalt  }
0x6b: {  	_ =	shalt  }
0x6c: {  	_ =	shalt  }
0x6d: {  	_ =	shalt  }
0x6e: {  	_ =	shalt  }
0x6f: {  	_ =	shalt  }
0x70: {  	_ =	shalt  }
0x71: {  	_ =	shalt  }
0x72: {  	_ =	shalt  }
0x73: {  	_ =	shalt  }
0x74: {  	_ =	shalt  }
0x75: {  	_ =	shalt  }
0x76: {  	_ =	shalt  }
0x77: {  	_ =	shalt  }
0x78: {  	_ =	shalt  }
0x79: {  	_ =	shalt  }
0x7a: {  	_ =	shalt  }
0x7b: {  	_ =	shalt  }
0x7c: {  	_ =	shalt  }
0x7d: {  	_ =	shalt  }
0x7e: {  	_ =	shalt  }
0x7f: {  	_ =	shalt  }
0x80: {  	_ =	shalt  }
0x81: {  	_ =	shalt  }
0x82: {  	_ =	shalt  }
0x83: {  	_ =	shalt  }
0x84: {  	_ =	shalt  }
0x85: {  	_ =	shalt  }
0x86: {  	_ =	shalt  }
0x87: {  	_ =	shalt  }
.Lfunc_end0:
.L_simem_size_0:
called_computation.1_lowered:
.L_overlay_start_0:
0x88: {  	s2 =	sld [smem:$0x3FD9]  }
0x89: {  	s3 =	sld [smem:$0x3FFE];
	_ =	sdelay $0x1  }
0x8a: {  	s1 =	srdreg.scid  }
0x8b: {  	s0 =	sand.u32 $0x1, s1  }
0x8c: {  	s14 =	sshll.u32 s0, $0xA;
	s2 =	sadd.s32 s3, s2  }
0x8d: {  	s2 =	sadd.s32 s2, s14  }
0x8e: {  	[smem:$0x3FC0] =	sst s2  }
0x8f: {  	_ = 	snop  }
0x90: {  	s2 =	sld [smem:$0x3FD0];
	_ =	sdelay $0x2  }
0x91: {  	s4 =	simm.s32 $0xA;
	s5 =	simm.s32 $0x10;
	s15 =	sld [smem:$0x3FC7]  }
0x92: {  	[smem:s5], [sflag:s4] =	dma.local [hbm:s2], $0x1  }
0x93: {  	_ =	swait.eq [sflag:s4], $0x1  }
0x94: {  	[sflag:s4] =	ssyncset.done $0x0  }
0x95: {  	[sflag:s4] =	ssyncadd.s32 $0xFFFFFFFF  }
0x96: {  	s16 =	sld [smem:$0x11];
	(tm) =	ssettm $0x1  }
0x97: {  	s17 =	sld [smem:$0x3FFB];
	_ =	sdelay $0x3  }
0x98: {  	_ =	strace s17  }
0x99: {  	s4 =	sld [smem:$0x3FFC];
	_ =	sdelay $0x3  }
0x9a: {  	_ =	strace s4  }
0x9b: {  	s4 =	sld [smem:$0x3FFD];
	_ =	sdelay $0x3  }
0x9c: {  	_ =	strace s4  }
0x9d: {  	_ =	strace $0x8FFFFFFF  }
0x9e: {  	s18 =	sld [smem:$0x3FDB];
	_ =	sdelay $0x1  }
0x9f: {  	s19 =	simm.s32 $_scs_section_size  }
0xa0: {  	s6 =	simm.s32 $_size__tile_overlayer_lowered;
	s7 =	simm.s32 $_tile_overlayer_lowered  }
0xa1: {  	s22 =	simm.s32 $0x1BFF;
	s21 =	sshll.u32 s7, $0x1;
	s4 =	sadd.s32 s19, s18  }
0xa2: {  	s8 =	simm.s32 $0x0;
	s20 =	sshll.u32 s6, $0x1;
	s6 =	sadd.s32 s21, s4  }
0xa3: {  	[timem:s8], [sflag:s22] =	dma.local [hbm:s6], s20  }
0xa4: {  	_ =	swait.ge [sflag:s22], s20  }
0xa5: {  	s5 =	ssub.s32 $0x0, s20;
	[sflag:s22] =	ssyncset.done $0x0  }
0xa6: {  	[sflag:s22] =	ssyncadd.s32 s5;
	_ =	sdelay $0x1  }
0xa7: {  	s23 =	simm.s32 $0x1B8B  }
0xa8: {  	_ =	swait.ge [sflag:s23], $0x1  }
0xa9: {  	[sflag:s23] =	ssyncset.done $0x0  }
0xaa: {  	s25 =	simm.s32 $0x1B8E;
	s24 =	sld [smem:$0x3FFE];
	[sflag:s23] =	ssyncadd.s32 $0xFFFFFFFF  }
0xab: {  	s26 =	simm.s32 $execute0_lowered;
	[smem:$0x3FD2] =	sst s25  }
0xac: {  	s6 =	sshll.u32 s26, $0x1;
	_ =	strace $0x80000049;
	[dreg:$0x1] =	wrdreg $0xFFFFFFFF  }
0xad: {  	s28 =	simm.s32 $_size_execute0_lowered;
	s4 =	sadd.s32 s4, s6;
	[dreg:$0x0] =	wrdreg $0x0  }
0xae: {  	s6 =	sshll.u32 s28, $0x1;
	[dreg:$0x2] =	wrdreg s4  }
0xaf: {  	[dreg:$0x3] =	wrdreg s6  }
0xb0: {  	[dreg:$0x4] =	wrdreg $0xC0  }
0xb1: {  	_ =	task [dreg:s8], $0x5FFFF  }
0xb2: {  	[dreg:$0x1] =	wrdreg $0xFFFFFFFF  }
0xb3: {  	[dreg:$0x0] =	wrdreg $0x60  }
0xb4: {  	[dreg:$0x2] =	wrdreg s24  }
0xb5: {  	[dreg:$0x3] =	wrdreg s15  }
0xb6: {  	[dreg:$0x4] =	wrdreg s16  }
0xb7: {  	[dreg:$0x5] =	wrdreg $0x9D300  }
0xb8: {  	[dreg:$0x6] =	wrdreg $0x9  }
0xb9: {  	_ =	task.clear_ibuf [dreg:s8], $0x7FFFF;
	_ =	strace $0x90000049  }
0xba: {  	s29 =	simm.s32 $0x9;
	_ =	strace $0x8000004B  }
0xbb: {  	_ =	swait.ge [sflag:s29], $0x1  }
0xbc: {  	[sflag:s29] =	ssyncadd.s32 $0xFFFFFFFF  }
0xbd: {  	_ =	strace $0x9000004B  }
0xbe: {  	_ =	sfence  }
0xbf: {  	s30 =	sld [smem:$0x0];
	_ =	sdelay $0x2  }
0xc0: {  	s31 =	sshll.u32 s1, $0xD;
	s1 =	sshrl.u32 s1, $0x2  }
0xc1: {  	s3 =	sand.u32 $0x4000, s31;
	s1 =	sadd.s32 s1, s30  }
0xc2: {  	s0 =	sor.u32 s3, s0;
	s1 =	sshll.u32 s1, $0x11  }
0xc3: {  	s0 =	sor.u32 s1, s0  }
0xc4: {  	s0 =	sadd.s32 $0x8F2B, s0  }
0xc5: {  	[sflag:s0] =	ssyncadd.remote.s32 $0x1  }
0xc6: {  	_ =	sfence.sel $0xFFFF  }
0xc7: {  	[dreg:$0x0] =	wrdreg $0xFFFFFFFF;
	(pc) =	sbr.abs _section_cstart, $3  }
0xc8: {  	[dreg:$0x1] =	wrdreg $0xFFFFFFFF  }
0xc9: {  	_ =	task.clear_ibuf [dreg:s8], $0x2FFFF;
	_ =	strace $0x9FFFFFFF  }
0xca: {  	(tm) =	ssettm $0x7FFFFFFF  }
0xcb: {  	_ =	shalt  }
tec
execute0_lowered:
.L_overlay_start_1:
0x0: {  	(tag) =	ssettag $0x1  }
0x1: {  	s1 =	rddreg [dreg:$0x0]  }
0x2: {  	s0 =	srdreg.scid;
	s7 =	rddreg [dreg:$0x1]  }
0x3: {  	s29 =	stileid.u32;
	s2 =	rddreg [dreg:$0x2];
	s18 =	simm.s32 $0x7530  }
0x4: {  	s19 =	simm.s32 $0x2;
	s20 =	simm.s32 $0x2710;
	s21 =	simm.s32 $0x4E20  }
0x5: {  	s22 =	simm.s32 $0x50;
	s5 =	sand.u32 $0x1, s0;
	s9 =	smul.u32 $0x14000, s29  }
0x6: {  	s23 =	simm.s32 $0x1;
	s12 =	smul.u32 $0x50000, s29;
	s3 =	sshll.u32 s5, $0x4  }
0x7: {  	s6 =	smul.u32 $0x140000, s5;
	s5 =	ssub.s32 $0x2, s5;
	s4 =	sor.u32 s29, s3  }
0x8: {  	s3 =	rddreg [dreg:$0x3];
	s11 =	sshrl.u32 s5, $0x1;
	s30 =	sshrl.u32 s12, $0x2  }
0x9: {  	s8 =	smul.u32 $0x4E2, s4;
	s4 =	simm.s32 $0x0;
	s6 =	sadd.s32 s9, s6  }
0xa: {  	s11 =	ssub.s32 s5, s11;
	s31 =	sadd.s32 s9, s3;
	s9 =	sadd.s32 s30, s3  }
0xb: {  	[smem:$0x7FF] =	sst s4;
	s6 =	sshrl.u32 s6, $0x3;
	s12 =	sadd.s32 $0x5000, s9  }
0xc: {  	s13 =	sadd.s32 $0x7800, s9;
	s14 =	sadd.s32 $0xA000, s9;
	s15 =	sadd.s32 $0xC800, s9  }
0xd: {  	s16 =	sadd.s32 $0xF000, s9;
	s17 =	sadd.s32 $0x11800, s9;
	s24 =	sshrl.u32 s31, $0x3  }
0xe: {  	_ =	strace $0x8000004A;
	s10 =	sadd.s32 s8, s1;
	s1 =	sadd.s32 s6, s1  }
0xf: {  	s7 =	sadd.s32 s7, s8;
	s5 =	sadd.s32 $0xBE00, s10;
	s6 =	sadd.s32 $0x2000, s10  }
0x10: {  	v0 =	vimm.f32 $0.0e+00;
	s8 =	sadd.s32 $0x3DC00, s1;
	s10 =	smax.u32 s11, $0x1;
	s11 =	sadd.s32 $0x2800, s9  }
.LBB2_1:
0x11: {  	s1 =	simm.s32 $0x0;
	s25 =	simm.s32 $0x200  }
.LBB2_2:
0x12: {  	p0 =	sne.s32 s25, $0x9E00;
	[tilespmem:s1+$0x75A0] =	vst v0  }
0x13: {  	[tilespmem:s1+$0x7530] =	vst v0  }
0x14: {  	[tilespmem:s1+$0x7540] =	vst v0  }
.Ltmp0:
0x15: {  	[tilespmem:s1+$0x7550] =	vst v0;
	(pc) =	sbr.rel @p0 .LBB2_2-.Ltmp0, $4  }
0x16: {  	[tilespmem:s1+$0x7560] =	vst v0  }
0x17: {  	[tilespmem:s1+$0x7570] =	vst v0  }
0x18: {  	[tilespmem:s1+$0x7580] =	vst v0  }
0x19: {  	[tilespmem:s1+$0x7590] =	vst v0;
	s1 =	sshra.s32 s25, $0x2;
	s25 =	sadd.s32 $0x200, s25  }
0x1a: {  	[tilespmem:s1+$0x75A0] =	vst v0  }
0x1b: {  	[tilespmem:s1+$0x7530] =	vst v0  }
0x1c: {  	[tilespmem:s1+$0x7540] =	vst v0  }
0x1d: {  	[tilespmem:s1+$0x7550] =	vst v0  }
0x1e: {  	[tilespmem:s1+$0x7560] =	vst v0  }
0x1f: {  	[tilespmem:s1+$0x7570] =	vst v0  }
0x20: {  	[tilespmem:s1+$0x7580] =	vst v0  }
0x21: {  	[tilespmem:s1+$0x7590] =	vst v0  }
0x22: {  	[spmem:s9] =	stream.linear.scatter [tilespmem:s18], [sflag:$0x2], $0x2800, $0x38;
	[tilespmem:$0x1DD30] =	vst v63  }
0x23: {  	_ =	swait.ge [sflag:s19], $0x2800  }
0x24: {  	[sflag:s19] =	ssyncset.done $0x0  }
0x25: {  	[sflag:s19] =	ssyncadd.s32 $0xFFFFD800  }
0x26: {  	[spmem:s11] =	stream.linear.scatter [tilespmem:s18], [sflag:$0x2], $0x2800, $0x38;
	[tilespmem:$0x1DD30] =	vst v63  }
0x27: {  	_ =	swait.ge [sflag:s19], $0x2800  }
0x28: {  	[sflag:s19] =	ssyncset.done $0x0  }
0x29: {  	[sflag:s19] =	ssyncadd.s32 $0xFFFFD800  }
0x2a: {  	[spmem:s12] =	stream.linear.scatter [tilespmem:s18], [sflag:$0x2], $0x2800, $0x38;
	[tilespmem:$0x1DD30] =	vst v63  }
0x2b: {  	_ =	swait.ge [sflag:s19], $0x2800  }
0x2c: {  	[sflag:s19] =	ssyncset.done $0x0  }
0x2d: {  	[sflag:s19] =	ssyncadd.s32 $0xFFFFD800  }
0x2e: {  	[spmem:s13] =	stream.linear.scatter [tilespmem:s18], [sflag:$0x2], $0x2800, $0x38;
	[tilespmem:$0x1DD30] =	vst v63  }
0x2f: {  	_ =	swait.ge [sflag:s19], $0x2800  }
0x30: {  	[sflag:s19] =	ssyncset.done $0x0  }
0x31: {  	[sflag:s19] =	ssyncadd.s32 $0xFFFFD800  }
0x32: {  	[spmem:s14] =	stream.linear.scatter [tilespmem:s18], [sflag:$0x2], $0x2800, $0x38;
	[tilespmem:$0x1DD30] =	vst v63  }
0x33: {  	_ =	swait.ge [sflag:s19], $0x2800  }
0x34: {  	[sflag:s19] =	ssyncset.done $0x0  }
0x35: {  	[sflag:s19] =	ssyncadd.s32 $0xFFFFD800  }
0x36: {  	[spmem:s15] =	stream.linear.scatter [tilespmem:s18], [sflag:$0x2], $0x2800, $0x38;
	[tilespmem:$0x1DD30] =	vst v63  }
0x37: {  	_ =	swait.ge [sflag:s19], $0x2800  }
0x38: {  	[sflag:s19] =	ssyncset.done $0x0  }
0x39: {  	[sflag:s19] =	ssyncadd.s32 $0xFFFFD800  }
0x3a: {  	[spmem:s16] =	stream.linear.scatter [tilespmem:s18], [sflag:$0x2], $0x2800, $0x38;
	[tilespmem:$0x1DD30] =	vst v63  }
0x3b: {  	_ =	swait.ge [sflag:s19], $0x2800  }
0x3c: {  	[sflag:s19] =	ssyncset.done $0x0  }
0x3d: {  	[sflag:s19] =	ssyncadd.s32 $0xFFFFD800  }
0x3e: {  	[spmem:s17] =	stream.linear.scatter [tilespmem:s18], [sflag:$0x2], $0x2800, $0x38;
	[tilespmem:$0x1DD30] =	vst v63  }
0x3f: {  	_ =	swait.ge [sflag:s19], $0x2800  }
0x40: {  	[sflag:s19] =	ssyncset.done $0x0  }
0x41: {  	[sflag:s19] =	ssyncadd.s32 $0xFFFFD800  }
0x42: {  	s25 =	simm.s32 $0x0;
	[bflag:$0x0] =	sbarrier.arrive $0xFFFF  }
0x43: {  	[tilespmem:s25], [sflag:$0x2] =	stream.linear.gather [hbm4b:s5+s25], $0x2710, $0x38;
	[tilespmem:$0x1DD30] =	vst v63  }
0x44: {  	_ =	swait.ge [sflag:s19], $0x2710  }
0x45: {  	[sflag:s19] =	ssyncset.done $0x0  }
0x46: {  	[sflag:s19] =	ssyncadd.s32 $0xFFFFD8F0  }
0x47: {  	[tilespmem:s20], [sflag:$0x2] =	stream.linear.gather [hbm4b:s6+s25], $0x2710, $0x38;
	[tilespmem:$0x1DD30] =	vst v63  }
0x48: {  	_ =	swait.ge [sflag:s19], $0x2710  }
0x49: {  	[sflag:s19] =	ssyncset.done $0x0  }
0x4a: {  	[sflag:s19] =	ssyncadd.s32 $0xFFFFD8F0  }
0x4b: {  	[tilespmem:s21], [sflag:$0x2] =	stream.linear.gather [hbm4b:s7+s25], $0x2710, $0x38;
	[tilespmem:$0x1DD30] =	vst v63  }
0x4c: {  	_ =	swait.ge [sflag:s19], $0x2710  }
0x4d: {  	[sflag:s19] =	ssyncset.done $0x0  }
0x4e: {  	s26 =	simm.s32 $0x0;
	[sflag:s19] =	ssyncadd.s32 $0xFFFFD8F0  }
.LBB2_4:
0x4f: {  	s28 =	smul.u32 $0x50, s26;
	_ =	sdelay $0x1  }
0x50: {  	[tilespmem:s18], [sflag:$0x1] =	stream.indirect.gather [hbm4b:s2+s22], $0x80, s28, s22, $0xb8;
	[tilespmem:$0x1DD30] =	vst v63  }
0x51: {  	_ =	swait.ge [sflag:s23], $0x2800  }
0x52: {  	v1 =	vmov s25;
	[sflag:s23] =	ssyncset.done $0x0  }
0x53: {  	s29 =	simm.s32 $0x7570;
	[sflag:s23] =	ssyncadd.s32 $0xFFFFD800  }
0x54: {  	v5 =	vld [tilespmem:s29+$0x30]  }
0x55: {  	v8 =	vld [tilespmem:s29+$0x10]  }
0x56: {  	s30 =	sadd.s32 $0x4E20, s28;
	v6 =	vld [tilespmem:s29+$0xFFFFFFC0]  }
0x57: {  	v2 =	vld.idx.msk [tilespmem:v1+s30+$0x0], $0xffff  }
0x58: {  	v10 =	vld [tilespmem:s29+$0xFFFFFFE0]  }
0x59: {  	v1 =	vld [tilespmem:s29+$0xFFFFFFF0]  }
0x5a: {  	v3 =	vld [tilespmem:s29+$0x20]  }
0x5b: {  	v4 =	vld [tilespmem:s29+$0xFFFFFFD0]  }
0x5c: {  	v9 =	vmul.f32 v5, v2;
	v5 =	vld [tilespmem:s29+$0x0]  }
0x5d: {  	v7 =	vmul.f32 v6, v2  }
0x5e: {  	s31 =	simm.s32 $0x1;
	s1 =	simm.s32 $0x7570;
	v6 =	vmul.f32 v10, v2;
	v8 =	vmul.f32 v8, v2  }
.LBB2_5:
0x5f: {  	p0 =	sne.s32 s31, $0x4F  }
0x60: {  	v4 =	vmul.f32 v4, v2;
	v3 =	vmul.f32 v3, v2;
	[tilespmem:s29+$0x30] =	vst v9;
	s1 =	sadd.s32 $0x80, s1;
	s0 =	smov.u32 s31;
	s31 =	sadd.s32 $0x1, s31  }
0x61: {  	[tilespmem:s29+$0xFFFFFFC0] =	vst v7;
	v7 =	vmul.f32 v1, v2;
	v2 =	vmul.f32 v5, v2  }
0x62: {  	[tilespmem:s29+$0x10] =	vst v8  }
0x63: {  	v5 =	vmov s0;
	[tilespmem:s29+$0xFFFFFFE0] =	vst v6  }
0x64: {  	v1 =	vld [tilespmem:s1+$0xFFFFFFF0];
	[tilespmem:s29+$0xFFFFFFF0] =	vst v7  }
0x65: {  	v6 =	vld [tilespmem:s1+$0x30];
	[tilespmem:s29+$0x0] =	vst v2  }
0x66: {  	v8 =	vld [tilespmem:s1+$0x10];
	[tilespmem:s29+$0x20] =	vst v3  }
0x67: {  	v7 =	vld [tilespmem:s1+$0xFFFFFFC0];
	[tilespmem:s29+$0xFFFFFFD0] =	vst v4;
	s29 =	smov.u32 s1  }
0x68: {  	v2 =	vld.idx.msk [tilespmem:v5+s30+$0x0], $0xffff  }
0x69: {  	v10 =	vld [tilespmem:s1+$0xFFFFFFE0]  }
0x6a: {  	v3 =	vld [tilespmem:s1+$0x20]  }
.Ltmp1:
0x6b: {  	v4 =	vld [tilespmem:s1+$0xFFFFFFD0];
	(pc) =	sbr.rel @p0 .LBB2_5-.Ltmp1, $3  }
0x6c: {  	v5 =	vld [tilespmem:s1+$0x0];
	_ =	sdelay $0x1  }
0x6d: {  	v7 =	vmul.f32 v7, v2;
	v9 =	vmul.f32 v6, v2  }
0x6e: {  	v8 =	vmul.f32 v8, v2;
	v6 =	vmul.f32 v10, v2  }
0x6f: {  	[tilespmem:s29+$0x30] =	vst v9  }
0x70: {  	[tilespmem:s29+$0xFFFFFFC0] =	vst v7  }
0x71: {  	v1 =	vmul.f32 v1, v2;
	[tilespmem:s29+$0x10] =	vst v8  }
0x72: {  	v3 =	vmul.f32 v3, v2;
	[tilespmem:s29+$0xFFFFFFE0] =	vst v6  }
0x73: {  	v5 =	vmul.f32 v5, v2;
	[tilespmem:s29+$0xFFFFFFF0] =	vst v1  }
0x74: {  	s26 =	sadd.s32 $0x1, s26;
	v1 =	vmul.f32 v4, v2;
	[tilespmem:s29+$0x20] =	vst v3  }
0x75: {  	p0 =	sne.s32 s26, $0x7D;
	[tilespmem:s29+$0x0] =	vst v5  }
.Ltmp2:
0x76: {  	s0 =	sadd.s32 $0x2710, s28;
	[tilespmem:s29+$0xFFFFFFD0] =	vst v1;
	(pc) =	sbr.rel @p0 .LBB2_4-.Ltmp2, $4  }
0x77: {  	[spmem:s3] =	stream.indirect.scatter.add.f32 [tilespmem:s18], [sflag:$0x2], $0x80, s0, s22, $0xb8;
	[tilespmem:$0x1DD30] =	vst v63  }
0x78: {  	_ =	swait.ge [sflag:s19], $0x2800  }
0x79: {  	[sflag:s19] =	ssyncset.done $0x0  }
0x7a: {  	[sflag:s19] =	ssyncadd.s32 $0xFFFFD800  }
0x7b: {  	s0 =	stileid.u32;
	s4 =	sadd.s32 $0x1, s4  }
0x7c: {  	s0 =	sshll.u32 s0, $0x6;
	p0 =	sne.s32 s4, s10  }
.Ltmp3:
0x7d: {  	[bflag:$0x0] =	sbarrier.arrive $0xFFFF;
	s0 =	sor.u32 $0x1C02, s0;
	(pc) =	sbr.rel @p0 .LBB2_1-.Ltmp3, $4  }
0x7e: {  	[hbm:s8], [sflag:s0] =	dma.local [spmem:s24], $0x2800  }
0x7f: {  	_ =	swait.ge [sflag:s19], $0x2800  }
0x80: {  	[sflag:s19] =	ssyncset.done $0x0  }
0x81: {  	[sflag:s19] =	ssyncadd.s32 $0xFFFFD800  }
0x82: {  	_ =	sfence.sel $0x180000  }
0x83: {  	[bflag:$0x0] =	sbarrier.arrive $0xFFFF  }
0x84: {  	_ =	strace $0x9000004A  }
0x85: {  	s0 =	stileid.u32;
	[bflag:$0x2] =	sbarrier.arrive $0xFFFF  }
0x86: {  	p0 =	sne.s32 s0, $0x0;
	s0 =	rddreg [dreg:$0x4]  }
0x87: {  	s0 =	sadd.s32 @!p0 $0x100000, s0  }
0x88: {  	[sflag:s0] =	ssyncadd.tile.s32 @!p0 $0x1;
	_ =	shalt  }
.Lfunc_end2:
_tile_overlayer_lowered:
.L_overlay_start_2:
0x89: {  	(tag) =	ssettag $0x2  }
0x8a: {  	s0 =	rddreg [dreg:$0x0];
	s2 =	stileid.u32  }
0x8b: {  	s1 =	rddreg [dreg:$0x1];
	p0 =	sne.s32 s2, $0x0  }
0x8c: {  	s3 =	rddreg [dreg:$0x2];
	[bflag:$0x3] =	sbarrier.arrive $0xFFFF;
	s2 =	simm.s32 @!p0 $0x1C02  }
0x8d: {  	[timem:s3], [sflag:s2] =	dma.local @!p0 [hbm:s0], s1  }
0x8e: {  	s0 =	simm.s32 @!p0 $0x2  }
0x8f: {  	_ =	swait.ge @!p0 [sflag:s0], s1  }
0x90: {  	s1 =	ssub.s32 @!p0 $0x0, s1;
	[sflag:s0] =	ssyncset.done @!p0 $0x0  }
0x91: {  	[sflag:s0] =	ssyncadd.s32 @!p0 s1  }
0x92: {  	[bflag:$0x3] =	sbarrier.arrive $0xFFFF  }
0x93: {  	_ =	shalt  }

</sc_bundles>
